<compile_context>
chip_gen: v7x
topology: tpu7x:2x2x1
jax: 0.10.2.dev20260603
libtpu: 0.0.44.dev20260713+nightly
codegen_flags: <defaults>
</compile_context>

<pallas_src>
import functools

import jax
import jax.numpy as jnp
from jax import lax
from jax.experimental import pallas as pl
from jax.experimental.pallas import tpu as pltpu
from jax.experimental.pallas import tpu_sc as plsc

N_CLUSTERS = 128
N, L, C = 32, 4096, 64
CHUNK = 128
NCH = L // CHUNK

_ROLL = pltpu.roll



def _ln_relu(h, g, bg):
    mu = jnp.mean(h, axis=-1, keepdims=True)
    var = jnp.mean((h - mu) ** 2, axis=-1, keepdims=True)
    return jnp.maximum((h - mu) / jnp.sqrt(var + 1e-5) * g + bg, 0.0)


def _k1_math(x, wcat, bcat, gcat, bgcat, means, eye):
    h = lax.dot_general(x, wcat, (((1,), (0,)), ((), ())),
                        preferred_element_type=jnp.float32) + bcat
    xe = _ln_relu(h[:, :C], gcat[:, :C], bgcat[:, :C])
    ye = _ln_relu(h[:, C:], gcat[:, C:], bgcat[:, C:])
    s = jnp.sqrt(jnp.sum(xe * xe, axis=0, keepdims=True))
    xn = xe / jnp.maximum(s, 1e-12)
    inv_m = 1.0 / jnp.maximum(s, 5e-5)
    d = lax.dot_general(xn, means, (((1,), (1,)), ((), ())),
                        preferred_element_type=jnp.float32)
    m = jnp.max(d, axis=-1, keepdims=True)
    ii = lax.broadcasted_iota(jnp.int32, d.shape, 1)
    codes = jnp.min(jnp.where(d == m, ii, N_CLUSTERS), axis=-1,
                    keepdims=True)
    cf = codes.astype(jnp.float32)
    rows = [lax.dot_general(cf[i * 128:(i + 1) * 128, :], eye,
                            (((0,), (0,)), ((), ())),
                            preferred_element_type=jnp.float32)
            for i in range(L // 128)]
    codes_row = jnp.concatenate(rows, axis=1).astype(jnp.int32)
    codes8 = jnp.broadcast_to(codes_row, (8, L))
    xy = jnp.concatenate([xe, ye], axis=-1)
    return xy, codes8, inv_m


def _k1_body(x_ref, wcat_ref, bcat_ref, gcat_ref, bgcat_ref,
             means_ref, eye_ref, xy_ref, codes_ref, inv_ref):
    xy, codes8, inv_m = _k1_math(
        x_ref[0], wcat_ref[...], bcat_ref[...], gcat_ref[...], bgcat_ref[...],
        means_ref[...], eye_ref[...])
    xy_ref[0] = xy
    codes_ref[0] = codes8
    inv_ref[0] = inv_m


def _run_k1(inputs, Wx, bx, gx, bgx, Wy, by, gy, bgy, means):
    wcat = jnp.concatenate([Wx.T, Wy.T], axis=1)
    bcat = jnp.concatenate([bx, by]).reshape(1, 2 * C)
    gcat = jnp.concatenate([gx, gy]).reshape(1, 2 * C)
    bgcat = jnp.concatenate([bgx, bgy]).reshape(1, 2 * C)
    eye = jnp.eye(128, dtype=jnp.float32)
    full2 = lambda shp: pl.BlockSpec(shp, lambda b: (0, 0))
    return pl.pallas_call(
        _k1_body,
        grid=(N,),
        in_specs=[
            pl.BlockSpec((1, L, C), lambda b: (b, 0, 0)),
            full2((C, 2 * C)), full2((1, 2 * C)), full2((1, 2 * C)),
            full2((1, 2 * C)), full2((N_CLUSTERS, C)), full2((128, 128)),
        ],
        out_specs=[
            pl.BlockSpec((1, L, 2 * C), lambda b: (b, 0, 0)),
            pl.BlockSpec((1, 8, L), lambda b: (b, 0, 0)),
            pl.BlockSpec((1, 1, C), lambda b: (b, 0, 0)),
        ],
        out_shape=[
            jax.ShapeDtypeStruct((N, L, 2 * C), jnp.float32),
            jax.ShapeDtypeStruct((N, 8, L), jnp.int32),
            jax.ShapeDtypeStruct((N, 1, C), jnp.float32),
        ],
    )(inputs, wcat, bcat, gcat, bgcat, means[0], eye)



@functools.cache
def _sc_sort_gather_kernel():
    mesh = plsc.VectorSubcoreMesh(core_axis_name="c", subcore_axis_name="s")
    return functools.partial(
        pl.kernel,
        out_type=(
            jax.ShapeDtypeStruct((N, L), jnp.int32),
            jax.ShapeDtypeStruct((N, L, 2 * C), jnp.float32),
        ),
        mesh=mesh,
        scratch_types=(
            pltpu.VMEM((L,), jnp.int32),
            pltpu.VMEM((L,), jnp.int32),
            pltpu.VMEM((L,), jnp.int32),
            pltpu.VMEM((N_CLUSTERS,), jnp.int32),
            pltpu.VMEM((32,), jnp.int32),
            pltpu.VMEM((32,), jnp.int32),
            pltpu.VMEM((CHUNK, 2 * C), jnp.float32),
            pltpu.SemaphoreType.DMA,
        ),
        compiler_params=pltpu.CompilerParams(needs_layout_passes=False),
    )(_sc_sort_gather_body)


def _sc_sort_gather_body(codes_hbm, xy_hbm,
                         undo_hbm, xys_hbm,
                         codes_v, idx_v, undo_v, hist, scr_prev, scr_next,
                         xyrows, sem):
    b = lax.axis_index("s") * 2 + lax.axis_index("c")
    pltpu.sync_copy(codes_hbm.at[b, 0], codes_v)

    iota = lax.broadcasted_iota(jnp.int32, (16,), 0)
    for i in range(N_CLUSTERS // 16):
        hist[pl.ds(i * 16, 16)] = jnp.zeros((16,), jnp.int32)
    scr_prev[pl.ds(0, 16)] = jnp.full((16,), -1, jnp.int32)
    scr_next[pl.ds(16, 16)] = jnp.ones((16,), jnp.int32)

    def seg_info(k):
        c = codes_v[pl.ds(k * 16, 16)]
        key = c * 16 + iota
        sk, sv = plsc.sort_key_val(key, iota)
        sc = lax.shift_right_logical(sk, 4)
        scr_prev[pl.ds(1, 16)] = sc
        prev = scr_prev[pl.ds(0, 16)]
        newseg = jnp.where(sc != prev, 1, 0)
        start = plsc.cummax(jnp.where(newseg > 0, iota, 0))
        rank = iota - start
        scr_next[pl.ds(0, 16)] = newseg
        nxt = scr_next[pl.ds(1, 16)]
        return sc, sv, rank, nxt > 0

    def histpass(k, carry):
        sc, _, rank, is_last = seg_info(k)
        plsc.addupdate_scatter(hist, [sc], rank + 1, mask=is_last)
        return carry
    lax.fori_loop(0, L // 16, histpass, 0)

    def prefix(i, run):
        h = hist[pl.ds(i * 16, 16)]
        inc = plsc.cumsum(h)
        hist[pl.ds(i * 16, 16)] = inc - h + run
        return run + jnp.sum(h)
    lax.fori_loop(0, N_CLUSTERS // 16, prefix, jnp.int32(0))

    def place(k, carry):
        sc, sv, rank, is_last = seg_info(k)
        cur = plsc.load_gather(hist, [sc])
        pos = cur + rank
        tok = sv + k * 16
        plsc.store_scatter(idx_v, [pos], tok)
        plsc.store_scatter(undo_v, [tok], pos)
        plsc.store_scatter(hist, [sc], pos + 1, mask=is_last)
        return carry
    lax.fori_loop(0, L // 16, place, 0)

    pltpu.sync_copy(undo_v, undo_hbm.at[b])

    def gather(j, carry):
        idxrow = idx_v.at[pl.ds(j * CHUNK, CHUNK)]
        pltpu.async_copy(xy_hbm.at[b].at[idxrow], xyrows, sem).wait()
        pltpu.sync_copy(xyrows, xys_hbm.at[b, pl.ds(j * CHUNK, CHUNK)])
        return carry
    lax.fori_loop(0, NCH, gather, 0)



def _k2_math(xy, inv_m):
    invp = jnp.concatenate([inv_m, jnp.zeros((1, C), jnp.float32)], axis=-1)
    xysi = xy * invp
    xyp = _ROLL(xy, 1, 0)
    ones_col = jnp.ones((2 * C, 1), jnp.float32)
    r0 = lax.dot_general(xy * xysi, ones_col, (((1,), (0,)), ((), ())),
                         preferred_element_type=jnp.float32)
    r1 = lax.dot_general(xyp * xysi, ones_col, (((1,), (0,)), ((), ())),
                         preferred_element_type=jnp.float32)
    r2 = _ROLL(r1, L - 1, 0)
    m3 = jnp.maximum(jnp.maximum(r0, r1), r2)
    mm = jnp.max(m3, axis=0, keepdims=True) + jnp.log(3.0).astype(jnp.float32)
    f0 = jnp.exp(r0 - mm)
    f1 = jnp.exp(r1 - mm)
    f2 = jnp.exp(r2 - mm)
    s = jnp.sum(f0 + f1 + f2, axis=0, keepdims=True)
    xyn = _ROLL(xy, L - 1, 0)
    acc = f0 * xy + f1 * xyp + f2 * xyn
    return acc * (1.0 / s)


def _k2_body(xys_ref, inv_ref, out_ref):
    out_ref[0] = _k2_math(xys_ref[0], inv_ref[0])


def _run_k2(xys, inv_m):
    return pl.pallas_call(
        _k2_body,
        grid=(N,),
        in_specs=[
            pl.BlockSpec((1, L, 2 * C), lambda b: (b, 0, 0)),
            pl.BlockSpec((1, 1, C), lambda b: (b, 0, 0)),
        ],
        out_specs=pl.BlockSpec((1, L, 2 * C), lambda b: (b, 0, 0)),
        out_shape=jax.ShapeDtypeStruct((N, L, 2 * C), jnp.float32),
    )(xys, inv_m)



@functools.cache
def _sc_unsort_kernel():
    mesh = plsc.VectorSubcoreMesh(core_axis_name="c", subcore_axis_name="s")
    return functools.partial(
        pl.kernel,
        out_type=jax.ShapeDtypeStruct((N, L, 2 * C), jnp.float32),
        mesh=mesh,
        scratch_types=(
            pltpu.VMEM((L,), jnp.int32),
            pltpu.VMEM((CHUNK, 2 * C), jnp.float32),
            pltpu.SemaphoreType.DMA,
        ),
        compiler_params=pltpu.CompilerParams(needs_layout_passes=False),
    )(_sc_unsort_body)


def _sc_unsort_body(undo_hbm, os_hbm, out_hbm, undo_v, rows, sem):
    b = lax.axis_index("s") * 2 + lax.axis_index("c")
    pltpu.sync_copy(undo_hbm.at[b], undo_v)

    def gather(j, carry):
        idxrow = undo_v.at[pl.ds(j * CHUNK, CHUNK)]
        pltpu.async_copy(os_hbm.at[b].at[idxrow], rows, sem).wait()
        pltpu.sync_copy(rows, out_hbm.at[b, pl.ds(j * CHUNK, CHUNK)])
        return carry
    lax.fori_loop(0, NCH, gather, 0)



def kernel(inputs, Wx, bx, gx, bgx, Wy, by, gy, bgy, alpha, means, training):
    xy, codes8, inv_m = _run_k1(inputs, Wx, bx, gx, bgx, Wy, by, gy, bgy,
                                means)
    undo, xys = _sc_sort_gather_kernel()(codes8, xy)
    out_sorted = _run_k2(xys, inv_m)
    ret = _sc_unsort_kernel()(undo, out_sorted)
    af = alpha.astype(jnp.float32)
    return af * inputs + (1.0 - af) * ret[:, :, C:]

# --- scband reference (transcript-rebuilt; emitter-appended) ---
"""Pipeline reference for scband-cgsl-83674552860819 (READ-ONLY COPY).

The authoritative reference and input builder live on the scoring server;
editing this copy changes nothing except your own understanding.
"""

import jax, jax.numpy as jnp
import numpy as np

N_ROUNDS = 1
N_CLUSTERS = 128
WINDOW_SIZE = 1
N, L, C = 32, 4096, 64


def layer_norm(x, g, b):
    mu = jnp.mean(x, axis=-1, keepdims=True)
    var = jnp.mean((x - mu) ** 2, axis=-1, keepdims=True)
    return (x - mu) / jnp.sqrt(var + 1e-5) * g + b


def l2norm(x, axis, eps):
    n = jnp.sqrt(jnp.sum(x * x, axis=axis, keepdims=True))
    return x / jnp.maximum(n, eps)


def batched_index_select(values, indices):
    # gather along dim 1: values [B, L, C], indices [B, L] -> [B, L, C]
    return jnp.take_along_axis(values, indices[..., None], axis=1)


def add_adjacent_buckets(x):
    back = jnp.concatenate([x[:, -1:], x[:, :-1]], axis=1)
    fwd = jnp.concatenate([x[:, 1:], x[:, :1]], axis=1)
    return jnp.concatenate([x, back, fwd], axis=2)


def kmeans_codes(x_embed, means):
    # Kmeans.forward with initted=True, update_means=False
    b = x_embed.shape[0]
    x = jnp.broadcast_to(x_embed[:, None], (b, N_ROUNDS) + x_embed.shape[1:])
    x = l2norm(x, axis=2, eps=1e-12)
    dists = jnp.einsum('bhld,hcd->bhlc', x, means)
    buckets = jnp.argmax(dists, axis=-1)
    offsets = (jnp.arange(N_ROUNDS) * N_CLUSTERS).reshape(1, -1, 1)
    return (buckets + offsets).reshape(b, -1)


def _forward(inputs, Wx, bx, gx, bgx, Wy, by, gy, bgy, alpha, means, training):
    x_embed = jax.nn.relu(layer_norm(inputs @ Wx.T + bx, gx, bgx))
    y_embed = jax.nn.relu(layer_norm(inputs @ Wy.T + by, gy, bgy))
    n, l, c = x_embed.shape
    codes = jax.lax.stop_gradient(kmeans_codes(x_embed, means))
    indices = jnp.argsort(codes, axis=-1)
    undo_sort = jnp.argsort(indices, axis=-1)
    x_att = batched_index_select(x_embed, indices).reshape(n, -1, WINDOW_SIZE, c)
    y_att = batched_index_select(y_embed, indices).reshape(n, -1, WINDOW_SIZE, c)
    x_match = add_adjacent_buckets(l2norm(x_att, axis=1, eps=5e-5))
    y_att = add_adjacent_buckets(y_att)
    raw = jnp.einsum('bkie,bkje->bkij', x_att, x_match)
    bucket_score = jax.scipy.special.logsumexp(raw, axis=-1, keepdims=True)
    score = jnp.exp(raw - bucket_score)
    bucket_score_flat = bucket_score.reshape(n, -1)
    ret = jnp.einsum('bkij,bkje->bkie', score, y_att).squeeze(2)
    ret = batched_index_select(ret, undo_sort)
    bs = jnp.take_along_axis(bucket_score_flat, undo_sort, axis=1)[..., None]
    probs = jax.nn.softmax(bs, axis=1)
    ret = ret * probs
    return alpha * inputs + (1.0 - alpha) * ret


def setup_inputs(seed: int = 0):
    key = jax.random.key(seed)
    ks = jax.random.split(key, 8)
    inputs = jax.random.normal(ks[0], (N, L, C), dtype=jnp.float32)
    Wx = jax.random.normal(ks[1], (C, C), dtype=jnp.float32) / np.sqrt(C)
    bx = jnp.zeros((C,), dtype=jnp.float32)
    gx = jnp.ones((C,), dtype=jnp.float32)
    bgx = jnp.zeros((C,), dtype=jnp.float32)
    Wy = jax.random.normal(ks[2], (C, C), dtype=jnp.float32) / np.sqrt(C)
    by = jnp.zeros((C,), dtype=jnp.float32)
    gy = jnp.ones((C,), dtype=jnp.float32)
    bgy = jnp.zeros((C,), dtype=jnp.float32)
    alpha = jnp.zeros((), dtype=jnp.float32)
    means = jax.random.normal(ks[3], (N_ROUNDS, N_CLUSTERS, C), dtype=jnp.float32)
    return {"inputs": inputs, "Wx": Wx, "bx": bx, "gx": gx, "bgx": bgx,
            "Wy": Wy, "by": by, "gy": gy, "bgy": bgy, "alpha": alpha,
            "means": means, "training": 0}


def reference(inputs, Wx, bx, gx, bgx, Wy, by, gy, bgy, alpha, means, training):
    return _forward(inputs, Wx, bx, gx, bgx, Wy, by, gy, bgy, alpha, means, training)

if __name__ == "__main__":
    import jax
    _d = setup_inputs()
    print(jax.jit(kernel)(*tuple(_d.values())))

</pallas_src>

<mosaic_0001>
#map = affine_map<(d0, d1) -> (0, 0, 0)>
#map1 = affine_map<(d0, d1) -> (0, 0)>
module attributes {stable_mosaic.version = 14 : i64} {
  func.func @_sc_sort_gather_body(%arg0: i32, %arg1: i32, %arg2: memref<32x8x4096xi32, #tpu.memory_space<hbm>>, %arg3: memref<32x4096x128xf32, #tpu.memory_space<hbm>>, %arg4: memref<32x4096xi32, #tpu.memory_space<hbm>>, %arg5: memref<32x4096x128xf32, #tpu.memory_space<hbm>>, %arg6: memref<4096xi32, #tpu.memory_space<vmem>>, %arg7: memref<4096xi32, #tpu.memory_space<vmem>>, %arg8: memref<4096xi32, #tpu.memory_space<vmem>>, %arg9: memref<128xi32, #tpu.memory_space<vmem>>, %arg10: memref<32xi32, #tpu.memory_space<vmem>>, %arg11: memref<32xi32, #tpu.memory_space<vmem>>, %arg12: memref<128x128xf32, #tpu.memory_space<vmem>>, %arg13: memref<!tpu.dma_semaphore, #tpu.memory_space<semaphore_mem>>) attributes {dimension_semantics = [#tpu.dimension_semantics<core_parallel>, #tpu.dimension_semantics<subcore_parallel>], iteration_bounds = array<i64: 2, 16>, scalar_prefetch = 0 : i64, scratch_operands = 8 : i64, tpu.core_type = #tpu.core_type<sc_vector_subcore>, window_params = [{transform_indices = #map}, {transform_indices = #map}, {transform_indices = #map1}, {transform_indices = #map}]} {
    %mul3A = arith.constant 2 : i32
    %mul3A_0 = arith.muli %arg1, %mul3A : i32
    %add3A = arith.addi %mul3A_0, %arg0 : i32
    %run_scoped3A = arith.constant 0 : i32
    "tpu.region"() ({
      %run_scoped3A_63 = tpu.sem_alloc : memref<!tpu.dma_semaphore, #tpu.memory_space<semaphore_mem>>
      %dma_start3A = arith.constant 0 : i32
      %dma_start3A_64 = tpu.memref_slice %arg2[%add3A, %run_scoped3A, %dma_start3A] : memref<32x8x4096xi32, #tpu.memory_space<hbm>> -> memref<1x1x4096xi32, #tpu.memory_space<hbm>>
      %dma_start3A_65 = tpu.memref_squeeze %dma_start3A_64 : memref<1x1x4096xi32, #tpu.memory_space<hbm>> -> memref<4096xi32, #tpu.memory_space<hbm>>
      %dma_start3A_66 = arith.constant 0 : i32
      %dma_start3A_67 = tpu.memref_slice %arg2[%add3A, %run_scoped3A, %dma_start3A_66] : memref<32x8x4096xi32, #tpu.memory_space<hbm>> -> memref<1x1x4096xi32, #tpu.memory_space<hbm>>
      %dma_start3A_68 = tpu.memref_squeeze %dma_start3A_67 : memref<1x1x4096xi32, #tpu.memory_space<hbm>> -> memref<4096xi32, #tpu.memory_space<hbm>>
      tpu.enqueue_dma source(%dma_start3A_68 : memref<4096xi32, #tpu.memory_space<hbm>>) target(%arg6 : memref<4096xi32, #tpu.memory_space<vmem>>) target_semaphore(%run_scoped3A_63 : memref<!tpu.dma_semaphore, #tpu.memory_space<semaphore_mem>>)
      %dma_wait3A = arith.constant 0 : i32
      %dma_wait3A_69 = tpu.memref_slice %arg2[%add3A, %run_scoped3A, %dma_wait3A] : memref<32x8x4096xi32, #tpu.memory_space<hbm>> -> memref<1x1x4096xi32, #tpu.memory_space<hbm>>
      %dma_wait3A_70 = tpu.memref_squeeze %dma_wait3A_69 : memref<1x1x4096xi32, #tpu.memory_space<hbm>> -> memref<4096xi32, #tpu.memory_space<hbm>>
      %dma_wait3A_71 = arith.constant 0 : i32
      %dma_wait3A_72 = tpu.memref_slice %arg2[%add3A, %run_scoped3A, %dma_wait3A_71] : memref<32x8x4096xi32, #tpu.memory_space<hbm>> -> memref<1x1x4096xi32, #tpu.memory_space<hbm>>
      %dma_wait3A_73 = tpu.memref_squeeze %dma_wait3A_72 : memref<1x1x4096xi32, #tpu.memory_space<hbm>> -> memref<4096xi32, #tpu.memory_space<hbm>>
      tpu.wait_dma2 semaphore(%run_scoped3A_63 : memref<!tpu.dma_semaphore, #tpu.memory_space<semaphore_mem>>) src(%dma_wait3A_73 : memref<4096xi32, #tpu.memory_space<hbm>>) dst(%arg6 : memref<4096xi32, #tpu.memory_space<vmem>>)
      tpu.yield
    }) : () -> ()
    %iota3A = tpu.iota {dimensions = array<i32: 0>} : vector<16xi32>
    %broadcast_in_dim3A = arith.constant 0 : i32
    %broadcast_in_dim3A_1 = vector.broadcast %broadcast_in_dim3A : i32 to vector<16xi32>
    %swap3A = arith.constant 0 : index
    %swap3A_2 = tpu.vector_load %arg9[%swap3A] {strides = array<i32>} : memref<128xi32, #tpu.memory_space<vmem>>, vector<16xi32>,
    tpu.vector_store %arg9[%swap3A], %broadcast_in_dim3A_1 {strides = array<i32>} : memref<128xi32, #tpu.memory_space<vmem>>, vector<16xi32>,
    %broadcast_in_dim3A_3 = arith.constant 0 : i32
    %broadcast_in_dim3A_4 = vector.broadcast %broadcast_in_dim3A_3 : i32 to vector<16xi32>
    %swap3A_5 = arith.constant 16 : index
    %swap3A_6 = tpu.vector_load %arg9[%swap3A_5] {strides = array<i32>} : memref<128xi32, #tpu.memory_space<vmem>>, vector<16xi32>,
    tpu.vector_store %arg9[%swap3A_5], %broadcast_in_dim3A_4 {strides = array<i32>} : memref<128xi32, #tpu.memory_space<vmem>>, vector<16xi32>,
    %broadcast_in_dim3A_7 = arith.constant 0 : i32
    %broadcast_in_dim3A_8 = vector.broadcast %broadcast_in_dim3A_7 : i32 to vector<16xi32>
    %swap3A_9 = arith.constant 32 : index
    %swap3A_10 = tpu.vector_load %arg9[%swap3A_9] {strides = array<i32>} : memref<128xi32, #tpu.memory_space<vmem>>, vector<16xi32>,
    tpu.vector_store %arg9[%swap3A_9], %broadcast_in_dim3A_8 {strides = array<i32>} : memref<128xi32, #tpu.memory_space<vmem>>, vector<16xi32>,
    %broadcast_in_dim3A_11 = arith.constant 0 : i32
    %broadcast_in_dim3A_12 = vector.broadcast %broadcast_in_dim3A_11 : i32 to vector<16xi32>
    %swap3A_13 = arith.constant 48 : index
    %swap3A_14 = tpu.vector_load %arg9[%swap3A_13] {strides = array<i32>} : memref<128xi32, #tpu.memory_space<vmem>>, vector<16xi32>,
    tpu.vector_store %arg9[%swap3A_13], %broadcast_in_dim3A_12 {strides = array<i32>} : memref<128xi32, #tpu.memory_space<vmem>>, vector<16xi32>,
    %broadcast_in_dim3A_15 = arith.constant 0 : i32
    %broadcast_in_dim3A_16 = vector.broadcast %broadcast_in_dim3A_15 : i32 to vector<16xi32>
    %swap3A_17 = arith.constant 64 : index
    %swap3A_18 = tpu.vector_load %arg9[%swap3A_17] {strides = array<i32>} : memref<128xi32, #tpu.memory_space<vmem>>, vector<16xi32>,
    tpu.vector_store %arg9[%swap3A_17], %broadcast_in_dim3A_16 {strides = array<i32>} : memref<128xi32, #tpu.memory_space<vmem>>, vector<16xi32>,
    %broadcast_in_dim3A_19 = arith.constant 0 : i32
    %broadcast_in_dim3A_20 = vector.broadcast %broadcast_in_dim3A_19 : i32 to vector<16xi32>
    %swap3A_21 = arith.constant 80 : index
    %swap3A_22 = tpu.vector_load %arg9[%swap3A_21] {strides = array<i32>} : memref<128xi32, #tpu.memory_space<vmem>>, vector<16xi32>,
    tpu.vector_store %arg9[%swap3A_21], %broadcast_in_dim3A_20 {strides = array<i32>} : memref<128xi32, #tpu.memory_space<vmem>>, vector<16xi32>,
    %broadcast_in_dim3A_23 = arith.constant 0 : i32
    %broadcast_in_dim3A_24 = vector.broadcast %broadcast_in_dim3A_23 : i32 to vector<16xi32>
    %swap3A_25 = arith.constant 96 : index
    %swap3A_26 = tpu.vector_load %arg9[%swap3A_25] {strides = array<i32>} : memref<128xi32, #tpu.memory_space<vmem>>, vector<16xi32>,
    tpu.vector_store %arg9[%swap3A_25], %broadcast_in_dim3A_24 {strides = array<i32>} : memref<128xi32, #tpu.memory_space<vmem>>, vector<16xi32>,
    %broadcast_in_dim3A_27 = arith.constant 0 : i32
    %broadcast_in_dim3A_28 = vector.broadcast %broadcast_in_dim3A_27 : i32 to vector<16xi32>
    %swap3A_29 = arith.constant 112 : index
    %swap3A_30 = tpu.vector_load %arg9[%swap3A_29] {strides = array<i32>} : memref<128xi32, #tpu.memory_space<vmem>>, vector<16xi32>,
    tpu.vector_store %arg9[%swap3A_29], %broadcast_in_dim3A_28 {strides = array<i32>} : memref<128xi32, #tpu.memory_space<vmem>>, vector<16xi32>,
    %broadcast_in_dim3A_31 = arith.constant -1 : i32
    %broadcast_in_dim3A_32 = vector.broadcast %broadcast_in_dim3A_31 : i32 to vector<16xi32>
    %swap3A_33 = arith.constant 0 : index
    %swap3A_34 = tpu.vector_load %arg10[%swap3A_33] {strides = array<i32>} : memref<32xi32, #tpu.memory_space<vmem>>, vector<16xi32>,
    tpu.vector_store %arg10[%swap3A_33], %broadcast_in_dim3A_32 {strides = array<i32>} : memref<32xi32, #tpu.memory_space<vmem>>, vector<16xi32>,
    %broadcast_in_dim3A_35 = arith.constant 1 : i32
    %broadcast_in_dim3A_36 = vector.broadcast %broadcast_in_dim3A_35 : i32 to vector<16xi32>
    %swap3A_37 = arith.constant 16 : index
    %swap3A_38 = tpu.vector_load %arg11[%swap3A_37] {strides = array<i32>} : memref<32xi32, #tpu.memory_space<vmem>>, vector<16xi32>,
    tpu.vector_store %arg11[%swap3A_37], %broadcast_in_dim3A_36 {strides = array<i32>} : memref<32xi32, #tpu.memory_space<vmem>>, vector<16xi32>,
    %scan3A = arith.constant 0 : i32
    %scan3A_39 = arith.constant 0 : i32
    %scan3A_40 = arith.constant 256 : i32
    %scan3A_41 = arith.addi %scan3A_39, %scan3A_40 : i32
    %scan3A_42 = arith.constant 1 : i32
    scf.for %scan3A_63 = %scan3A_39 to %scan3A_41 step %scan3A_42  : i32 {
      %mul3A_64 = arith.constant 16 : i32
      %mul3A_65 = arith.muli %scan3A_63, %mul3A_64 : i32
      %get3A = arith.index_cast %mul3A_65 : i32 to index
      %get3A_66 = tpu.vector_load %arg6[%get3A] {strides = array<i32>} : memref<4096xi32, #tpu.memory_space<vmem>>, vector<16xi32>,
      %mul3A_67 = arith.constant 16 : i32
      %mul3A_68 = vector.broadcast %mul3A_67 : i32 to vector<16xi32>
      %mul3A_69 = arith.muli %get3A_66, %mul3A_68 : vector<16xi32>
      %add3A_70 = arith.addi %mul3A_69, %iota3A : vector<16xi32>
      %masked_sort3A = arith.constant dense<true> : vector<16xi1>
      %masked_sort3A_71 = arith.constant -2147483648 : i32
      %masked_sort3A_72 = vector.broadcast %masked_sort3A_71 : i32 to vector<16xi32>
      %masked_sort3A_73 = arith.xori %add3A_70, %masked_sort3A_72 : vector<16xi32>
      %masked_sort3A_74, %masked_sort3A_75, %masked_sort3A_76 = tpu.sort %masked_sort3A_73, %iota3A masked %masked_sort3A : (vector<16xi32>, vector<16xi32>, vector<16xi1>) -> (vector<16xi1>, vector<16xi32>, vector<16xi32>)
      %masked_sort3A_77 = arith.xori %masked_sort3A_75, %masked_sort3A_72 : vector<16xi32>
      %shift_right_logical3A = arith.constant 4 : i32
      %shift_right_logical3A_78 = vector.broadcast %shift_right_logical3A : i32 to vector<16xi32>
      %shift_right_logical3A_79 = arith.shrui %masked_sort3A_77, %shift_right_logical3A_78 : vector<16xi32>
      %swap3A_80 = arith.constant 1 : index
      %swap3A_81 = tpu.vector_load %arg10[%swap3A_80] {strides = array<i32>} : memref<32xi32, #tpu.memory_space<vmem>>, vector<16xi32>,
      tpu.vector_store %arg10[%swap3A_80], %shift_right_logical3A_79 {strides = array<i32>} : memref<32xi32, #tpu.memory_space<vmem>>, vector<16xi32>,
      %get3A_82 = arith.constant 0 : index
      %get3A_83 = tpu.vector_load %arg10[%get3A_82] {strides = array<i32>} : memref<32xi32, #tpu.memory_space<vmem>>, vector<16xi32>,
      %ne3A = arith.cmpi ne, %shift_right_logical3A_79, %get3A_83 : vector<16xi32>
      %jit3A = arith.constant 1 : i32
      %jit3A_84 = arith.constant 0 : i32
      %broadcast_in_dim3A_85 = vector.broadcast %jit3A : i32 to vector<16xi32>
      %broadcast_in_dim3A_86 = vector.broadcast %jit3A_84 : i32 to vector<16xi32>
      %select_n3A = arith.select %ne3A, %broadcast_in_dim3A_85, %broadcast_in_dim3A_86 : vector<16xi1>, vector<16xi32>
      %gt3A = arith.constant 0 : i32
      %gt3A_87 = vector.broadcast %gt3A : i32 to vector<16xi32>
      %gt3A_88 = arith.cmpi sgt, %select_n3A, %gt3A_87 : vector<16xi32>
      %jit3A_89 = arith.constant 0 : i32
      %broadcast_in_dim3A_90 = vector.broadcast %jit3A_89 : i32 to vector<16xi32>
      %select_n3A_91 = arith.select %gt3A_88, %iota3A, %broadcast_in_dim3A_90 : vector<16xi1>, vector<16xi32>
      %broadcast_in_dim3A_92 = arith.constant true
      %broadcast_in_dim3A_93 = vector.broadcast %broadcast_in_dim3A_92 : i1 to vector<16xi1>
      %masked_cummax3A = arith.constant -2147483648 : i32
      %masked_cummax3A_94 = vector.broadcast %masked_cummax3A : i32 to vector<16xi32>
      %masked_cummax3A_95 = arith.xori %select_n3A_91, %masked_cummax3A_94 : vector<16xi32>
      %masked_cummax3A_96 = tpu.scan <max>, %masked_cummax3A_95 masked %broadcast_in_dim3A_93 : vector<16xi32>, vector<16xi1> -> vector<16xi32>
      %masked_cummax3A_97 = arith.xori %masked_cummax3A_96, %masked_cummax3A_94 : vector<16xi32>
      %sub3A = arith.subi %iota3A, %masked_cummax3A_97 : vector<16xi32>
      %swap3A_98 = arith.constant 0 : index
      %swap3A_99 = tpu.vector_load %arg11[%swap3A_98] {strides = array<i32>} : memref<32xi32, #tpu.memory_space<vmem>>, vector<16xi32>,
      tpu.vector_store %arg11[%swap3A_98], %select_n3A {strides = array<i32>} : memref<32xi32, #tpu.memory_space<vmem>>, vector<16xi32>,
      %get3A_100 = arith.constant 1 : index
      %get3A_101 = tpu.vector_load %arg11[%get3A_100] {strides = array<i32>} : memref<32xi32, #tpu.memory_space<vmem>>, vector<16xi32>,
      %gt3A_102 = arith.constant 0 : i32
      %gt3A_103 = vector.broadcast %gt3A_102 : i32 to vector<16xi32>
      %gt3A_104 = arith.cmpi sgt, %get3A_101, %gt3A_103 : vector<16xi32>
      %add3A_105 = arith.constant 1 : i32
      %add3A_106 = vector.broadcast %add3A_105 : i32 to vector<16xi32>
      %add3A_107 = arith.addi %sub3A, %add3A_106 : vector<16xi32>
      tpu.vector_store_idx %arg9[%shift_right_logical3A_79], %add3A_107 masked %gt3A_104 {add = true} : memref<128xi32, #tpu.memory_space<vmem>>[vector<16xi32>], vector<16xi32>, vector<16xi1>
    }
    %scan3A_43 = arith.constant 256 : i32
    %scan3A_44 = arith.constant 0 : i32
    %scan3A_45 = arith.constant 0 : i32
    %scan3A_46 = arith.constant 8 : i32
    %scan3A_47 = arith.addi %scan3A_45, %scan3A_46 : i32
    %scan3A_48 = arith.constant 1 : i32
    %scan3A_49 = scf.for %scan3A_63 = %scan3A_45 to %scan3A_47 step %scan3A_48 iter_args(%scan3A_64 = %scan3A_44) -> (i32)  : i32 {
      %mul3A_65 = arith.constant 16 : i32
      %mul3A_66 = arith.muli %scan3A_63, %mul3A_65 : i32
      %get3A = arith.index_cast %mul3A_66 : i32 to index
      %get3A_67 = tpu.vector_load %arg9[%get3A] {strides = array<i32>} : memref<128xi32, #tpu.memory_space<vmem>>, vector<16xi32>,
      %broadcast_in_dim3A_68 = arith.constant true
      %broadcast_in_dim3A_69 = vector.broadcast %broadcast_in_dim3A_68 : i1 to vector<16xi1>
      %masked_cumsum3A = tpu.scan <sum>, %get3A_67 masked %broadcast_in_dim3A_69 : vector<16xi32>, vector<16xi1> -> vector<16xi32>
      %sub3A = arith.subi %masked_cumsum3A, %get3A_67 : vector<16xi32>
      %add3A_70 = vector.broadcast %scan3A_64 : i32 to vector<16xi32>
      %add3A_71 = arith.addi %sub3A, %add3A_70 : vector<16xi32>
      %mul3A_72 = arith.constant 16 : i32
      %mul3A_73 = arith.muli %scan3A_63, %mul3A_72 : i32
      %swap3A_74 = arith.index_cast %mul3A_73 : i32 to index
      %swap3A_75 = tpu.vector_load %arg9[%swap3A_74] {strides = array<i32>} : memref<128xi32, #tpu.memory_space<vmem>>, vector<16xi32>,
      tpu.vector_store %arg9[%swap3A_74], %add3A_71 {strides = array<i32>} : memref<128xi32, #tpu.memory_space<vmem>>, vector<16xi32>,
      %reduce_sum3A = arith.constant true
      %reduce_sum3A_76 = vector.broadcast %reduce_sum3A : i1 to vector<16xi1>
      %reduce_sum3A_77 = tpu.scan <sum>, %get3A_67 masked %reduce_sum3A_76 : vector<16xi32>, vector<16xi1> -> vector<16xi32>
      %reduce_sum3A_78 = vector.extract %reduce_sum3A_77[15] : i32 from vector<16xi32>
      %add3A_79 = arith.addi %scan3A_64, %reduce_sum3A_78 : i32
      scf.yield %add3A_79 : i32
    }
    %scan3A_50 = arith.constant 8 : i32
    %scan3A_51 = arith.constant 0 : i32
    %scan3A_52 = arith.constant 0 : i32
    %scan3A_53 = arith.constant 256 : i32
    %scan3A_54 = arith.addi %scan3A_52, %scan3A_53 : i32
    %scan3A_55 = arith.constant 1 : i32
    scf.for %scan3A_63 = %scan3A_52 to %scan3A_54 step %scan3A_55  : i32 {
      %mul3A_64 = arith.constant 16 : i32
      %mul3A_65 = arith.muli %scan3A_63, %mul3A_64 : i32
      %get3A = arith.index_cast %mul3A_65 : i32 to index
      %get3A_66 = tpu.vector_load %arg6[%get3A] {strides = array<i32>} : memref<4096xi32, #tpu.memory_space<vmem>>, vector<16xi32>,
      %mul3A_67 = arith.constant 16 : i32
      %mul3A_68 = vector.broadcast %mul3A_67 : i32 to vector<16xi32>
      %mul3A_69 = arith.muli %get3A_66, %mul3A_68 : vector<16xi32>
      %add3A_70 = arith.addi %mul3A_69, %iota3A : vector<16xi32>
      %masked_sort3A = arith.constant dense<true> : vector<16xi1>
      %masked_sort3A_71 = arith.constant -2147483648 : i32
      %masked_sort3A_72 = vector.broadcast %masked_sort3A_71 : i32 to vector<16xi32>
      %masked_sort3A_73 = arith.xori %add3A_70, %masked_sort3A_72 : vector<16xi32>
      %masked_sort3A_74, %masked_sort3A_75, %masked_sort3A_76 = tpu.sort %masked_sort3A_73, %iota3A masked %masked_sort3A : (vector<16xi32>, vector<16xi32>, vector<16xi1>) -> (vector<16xi1>, vector<16xi32>, vector<16xi32>)
      %masked_sort3A_77 = arith.xori %masked_sort3A_75, %masked_sort3A_72 : vector<16xi32>
      %shift_right_logical3A = arith.constant 4 : i32
      %shift_right_logical3A_78 = vector.broadcast %shift_right_logical3A : i32 to vector<16xi32>
      %shift_right_logical3A_79 = arith.shrui %masked_sort3A_77, %shift_right_logical3A_78 : vector<16xi32>
      %swap3A_80 = arith.constant 1 : index
      %swap3A_81 = tpu.vector_load %arg10[%swap3A_80] {strides = array<i32>} : memref<32xi32, #tpu.memory_space<vmem>>, vector<16xi32>,
      tpu.vector_store %arg10[%swap3A_80], %shift_right_logical3A_79 {strides = array<i32>} : memref<32xi32, #tpu.memory_space<vmem>>, vector<16xi32>,
      %get3A_82 = arith.constant 0 : index
      %get3A_83 = tpu.vector_load %arg10[%get3A_82] {strides = array<i32>} : memref<32xi32, #tpu.memory_space<vmem>>, vector<16xi32>,
      %ne3A = arith.cmpi ne, %shift_right_logical3A_79, %get3A_83 : vector<16xi32>
      %jit3A = arith.constant 1 : i32
      %jit3A_84 = arith.constant 0 : i32
      %broadcast_in_dim3A_85 = vector.broadcast %jit3A : i32 to vector<16xi32>
      %broadcast_in_dim3A_86 = vector.broadcast %jit3A_84 : i32 to vector<16xi32>
      %select_n3A = arith.select %ne3A, %broadcast_in_dim3A_85, %broadcast_in_dim3A_86 : vector<16xi1>, vector<16xi32>
      %gt3A = arith.constant 0 : i32
      %gt3A_87 = vector.broadcast %gt3A : i32 to vector<16xi32>
      %gt3A_88 = arith.cmpi sgt, %select_n3A, %gt3A_87 : vector<16xi32>
      %jit3A_89 = arith.constant 0 : i32
      %broadcast_in_dim3A_90 = vector.broadcast %jit3A_89 : i32 to vector<16xi32>
      %select_n3A_91 = arith.select %gt3A_88, %iota3A, %broadcast_in_dim3A_90 : vector<16xi1>, vector<16xi32>
      %broadcast_in_dim3A_92 = arith.constant true
      %broadcast_in_dim3A_93 = vector.broadcast %broadcast_in_dim3A_92 : i1 to vector<16xi1>
      %masked_cummax3A = arith.constant -2147483648 : i32
      %masked_cummax3A_94 = vector.broadcast %masked_cummax3A : i32 to vector<16xi32>
      %masked_cummax3A_95 = arith.xori %select_n3A_91, %masked_cummax3A_94 : vector<16xi32>
      %masked_cummax3A_96 = tpu.scan <max>, %masked_cummax3A_95 masked %broadcast_in_dim3A_93 : vector<16xi32>, vector<16xi1> -> vector<16xi32>
      %masked_cummax3A_97 = arith.xori %masked_cummax3A_96, %masked_cummax3A_94 : vector<16xi32>
      %sub3A = arith.subi %iota3A, %masked_cummax3A_97 : vector<16xi32>
      %swap3A_98 = arith.constant 0 : index
      %swap3A_99 = tpu.vector_load %arg11[%swap3A_98] {strides = array<i32>} : memref<32xi32, #tpu.memory_space<vmem>>, vector<16xi32>,
      tpu.vector_store %arg11[%swap3A_98], %select_n3A {strides = array<i32>} : memref<32xi32, #tpu.memory_space<vmem>>, vector<16xi32>,
      %get3A_100 = arith.constant 1 : index
      %get3A_101 = tpu.vector_load %arg11[%get3A_100] {strides = array<i32>} : memref<32xi32, #tpu.memory_space<vmem>>, vector<16xi32>,
      %gt3A_102 = arith.constant 0 : i32
      %gt3A_103 = vector.broadcast %gt3A_102 : i32 to vector<16xi32>
      %gt3A_104 = arith.cmpi sgt, %get3A_101, %gt3A_103 : vector<16xi32>
      %gather3A = tpu.vector_load_idx %arg9[%shift_right_logical3A_79] : memref<128xi32, #tpu.memory_space<vmem>>[vector<16xi32>], vector<16xi32>,
      %add3A_105 = arith.addi %gather3A, %sub3A : vector<16xi32>
      %mul3A_106 = arith.constant 16 : i32
      %mul3A_107 = arith.muli %scan3A_63, %mul3A_106 : i32
      %add3A_108 = vector.broadcast %mul3A_107 : i32 to vector<16xi32>
      %add3A_109 = arith.addi %masked_sort3A_76, %add3A_108 : vector<16xi32>
      tpu.vector_store_idx %arg7[%add3A_105], %add3A_109 : memref<4096xi32, #tpu.memory_space<vmem>>[vector<16xi32>], vector<16xi32>,
      tpu.vector_store_idx %arg8[%add3A_109], %add3A_105 : memref<4096xi32, #tpu.memory_space<vmem>>[vector<16xi32>], vector<16xi32>,
      %add3A_110 = arith.constant 1 : i32
      %add3A_111 = vector.broadcast %add3A_110 : i32 to vector<16xi32>
      %add3A_112 = arith.addi %add3A_105, %add3A_111 : vector<16xi32>
      tpu.vector_store_idx %arg9[%shift_right_logical3A_79], %add3A_112 masked %gt3A_104 : memref<128xi32, #tpu.memory_space<vmem>>[vector<16xi32>], vector<16xi32>, vector<16xi1>
    }
    %scan3A_56 = arith.constant 256 : i32
    "tpu.region"() ({
      %run_scoped3A_63 = tpu.sem_alloc : memref<!tpu.dma_semaphore, #tpu.memory_space<semaphore_mem>>
      %dma_start3A = arith.constant 0 : i32
      %dma_start3A_64 = tpu.memref_slice %arg4[%add3A, %dma_start3A] : memref<32x4096xi32, #tpu.memory_space<hbm>> -> memref<1x4096xi32, #tpu.memory_space<hbm>>
      %dma_start3A_65 = tpu.memref_squeeze %dma_start3A_64 : memref<1x4096xi32, #tpu.memory_space<hbm>> -> memref<4096xi32, #tpu.memory_space<hbm>>
      %dma_start3A_66 = arith.constant 0 : i32
      %dma_start3A_67 = tpu.memref_slice %arg4[%add3A, %dma_start3A_66] : memref<32x4096xi32, #tpu.memory_space<hbm>> -> memref<1x4096xi32, #tpu.memory_space<hbm>>
      %dma_start3A_68 = tpu.memref_squeeze %dma_start3A_67 : memref<1x4096xi32, #tpu.memory_space<hbm>> -> memref<4096xi32, #tpu.memory_space<hbm>>
      tpu.enqueue_dma source(%arg8 : memref<4096xi32, #tpu.memory_space<vmem>>) target(%dma_start3A_68 : memref<4096xi32, #tpu.memory_space<hbm>>) target_semaphore(%run_scoped3A_63 : memref<!tpu.dma_semaphore, #tpu.memory_space<semaphore_mem>>)
      %dma_wait3A = arith.constant 0 : i32
      %dma_wait3A_69 = tpu.memref_slice %arg4[%add3A, %dma_wait3A] : memref<32x4096xi32, #tpu.memory_space<hbm>> -> memref<1x4096xi32, #tpu.memory_space<hbm>>
      %dma_wait3A_70 = tpu.memref_squeeze %dma_wait3A_69 : memref<1x4096xi32, #tpu.memory_space<hbm>> -> memref<4096xi32, #tpu.memory_space<hbm>>
      %dma_wait3A_71 = arith.constant 0 : i32
      %dma_wait3A_72 = tpu.memref_slice %arg4[%add3A, %dma_wait3A_71] : memref<32x4096xi32, #tpu.memory_space<hbm>> -> memref<1x4096xi32, #tpu.memory_space<hbm>>
      %dma_wait3A_73 = tpu.memref_squeeze %dma_wait3A_72 : memref<1x4096xi32, #tpu.memory_space<hbm>> -> memref<4096xi32, #tpu.memory_space<hbm>>
      tpu.wait_dma2 semaphore(%run_scoped3A_63 : memref<!tpu.dma_semaphore, #tpu.memory_space<semaphore_mem>>) src(%arg8 : memref<4096xi32, #tpu.memory_space<vmem>>) dst(%dma_wait3A_73 : memref<4096xi32, #tpu.memory_space<hbm>>)
      tpu.yield
    }) : () -> ()
    %scan3A_57 = arith.constant 0 : i32
    %scan3A_58 = arith.constant 0 : i32
    %scan3A_59 = arith.constant 32 : i32
    %scan3A_60 = arith.addi %scan3A_58, %scan3A_59 : i32
    %scan3A_61 = arith.constant 1 : i32
    scf.for %scan3A_63 = %scan3A_58 to %scan3A_60 step %scan3A_61  : i32 {
      %mul3A_64 = arith.constant 128 : i32
      %mul3A_65 = arith.muli %scan3A_63, %mul3A_64 : i32
      %dma_start3A = tpu.memref_slice %arg7[%mul3A_65] : memref<4096xi32, #tpu.memory_space<vmem>> -> memref<128xi32, #tpu.memory_space<vmem>>
      %dma_start3A_66 = arith.constant 0 : i32
      %dma_start3A_67 = arith.constant 0 : i32
      %dma_start3A_68 = tpu.memref_slice %arg3[%add3A, %dma_start3A_66, %dma_start3A_67] : memref<32x4096x128xf32, #tpu.memory_space<hbm>> -> memref<1x4096x128xf32, #tpu.memory_space<hbm>>
      %dma_start3A_69 = tpu.memref_squeeze %dma_start3A_68 : memref<1x4096x128xf32, #tpu.memory_space<hbm>> -> memref<4096x128xf32, #tpu.memory_space<hbm>>
      %dma_start3A_70 = arith.constant 0 : i32
      %dma_start3A_71 = arith.constant 0 : i32
      %dma_start3A_72 = tpu.memref_slice %dma_start3A_69[%dma_start3A_70, %dma_start3A_71] : memref<4096x128xf32, #tpu.memory_space<hbm>> -> memref<4096x128xf32, #tpu.memory_space<hbm>>
      tpu.enqueue_indirect_dma source(%dma_start3A_72 : memref<4096x128xf32, #tpu.memory_space<hbm>>) target(%arg12 : memref<128x128xf32, #tpu.memory_space<vmem>>) offsets(%dma_start3A : memref<128xi32, #tpu.memory_space<vmem>>) semaphore(%arg13 : memref<!tpu.dma_semaphore, #tpu.memory_space<semaphore_mem>>)
      %dma_wait3A = tpu.memref_slice %arg7[%mul3A_65] : memref<4096xi32, #tpu.memory_space<vmem>> -> memref<128xi32, #tpu.memory_space<vmem>>
      %dma_wait3A_73 = arith.constant 0 : i32
      %dma_wait3A_74 = arith.constant 0 : i32
      %dma_wait3A_75 = tpu.memref_slice %arg3[%add3A, %dma_wait3A_73, %dma_wait3A_74] : memref<32x4096x128xf32, #tpu.memory_space<hbm>> -> memref<1x4096x128xf32, #tpu.memory_space<hbm>>
      %dma_wait3A_76 = tpu.memref_squeeze %dma_wait3A_75 : memref<1x4096x128xf32, #tpu.memory_space<hbm>> -> memref<4096x128xf32, #tpu.memory_space<hbm>>
      %dma_wait3A_77 = arith.constant 0 : i32
      %dma_wait3A_78 = arith.constant 0 : i32
      %dma_wait3A_79 = tpu.memref_slice %dma_wait3A_76[%dma_wait3A_77, %dma_wait3A_78] : memref<4096x128xf32, #tpu.memory_space<hbm>> -> memref<4096x128xf32, #tpu.memory_space<hbm>>
      tpu.wait_indirect_dma semaphore(%arg13 : memref<!tpu.dma_semaphore, #tpu.memory_space<semaphore_mem>>) src(%dma_wait3A_79 : memref<4096x128xf32, #tpu.memory_space<hbm>>) dst(%arg12 : memref<128x128xf32, #tpu.memory_space<vmem>>)
      %mul3A_80 = arith.constant 128 : i32
      %mul3A_81 = arith.muli %scan3A_63, %mul3A_80 : i32
      "tpu.region"() ({
        %run_scoped3A_82 = tpu.sem_alloc : memref<!tpu.dma_semaphore, #tpu.memory_space<semaphore_mem>>
        %dma_start3A_83 = arith.constant 0 : i32
        %dma_start3A_84 = tpu.memref_slice %arg5[%add3A, %mul3A_81, %dma_start3A_83] : memref<32x4096x128xf32, #tpu.memory_space<hbm>> -> memref<1x128x128xf32, #tpu.memory_space<hbm>>
        %dma_start3A_85 = tpu.memref_squeeze %dma_start3A_84 : memref<1x128x128xf32, #tpu.memory_space<hbm>> -> memref<128x128xf32, #tpu.memory_space<hbm>>
        %dma_start3A_86 = arith.constant 0 : i32
        %dma_start3A_87 = tpu.memref_slice %arg5[%add3A, %mul3A_81, %dma_start3A_86] : memref<32x4096x128xf32, #tpu.memory_space<hbm>> -> memref<1x128x128xf32, #tpu.memory_space<hbm>>
        %dma_start3A_88 = tpu.memref_squeeze %dma_start3A_87 : memref<1x128x128xf32, #tpu.memory_space<hbm>> -> memref<128x128xf32, #tpu.memory_space<hbm>>
        tpu.enqueue_dma source(%arg12 : memref<128x128xf32, #tpu.memory_space<vmem>>) target(%dma_start3A_88 : memref<128x128xf32, #tpu.memory_space<hbm>>) target_semaphore(%run_scoped3A_82 : memref<!tpu.dma_semaphore, #tpu.memory_space<semaphore_mem>>)
        %dma_wait3A_89 = arith.constant 0 : i32
        %dma_wait3A_90 = tpu.memref_slice %arg5[%add3A, %mul3A_81, %dma_wait3A_89] : memref<32x4096x128xf32, #tpu.memory_space<hbm>> -> memref<1x128x128xf32, #tpu.memory_space<hbm>>
        %dma_wait3A_91 = tpu.memref_squeeze %dma_wait3A_90 : memref<1x128x128xf32, #tpu.memory_space<hbm>> -> memref<128x128xf32, #tpu.memory_space<hbm>>
        %dma_wait3A_92 = arith.constant 0 : i32
        %dma_wait3A_93 = tpu.memref_slice %arg5[%add3A, %mul3A_81, %dma_wait3A_92] : memref<32x4096x128xf32, #tpu.memory_space<hbm>> -> memref<1x128x128xf32, #tpu.memory_space<hbm>>
        %dma_wait3A_94 = tpu.memref_squeeze %dma_wait3A_93 : memref<1x128x128xf32, #tpu.memory_space<hbm>> -> memref<128x128xf32, #tpu.memory_space<hbm>>
        tpu.wait_dma2 semaphore(%run_scoped3A_82 : memref<!tpu.dma_semaphore, #tpu.memory_space<semaphore_mem>>) src(%arg12 : memref<128x128xf32, #tpu.memory_space<vmem>>) dst(%dma_wait3A_94 : memref<128x128xf32, #tpu.memory_space<hbm>>)
        tpu.yield
      }) : () -> ()
    }
    %scan3A_62 = arith.constant 32 : i32
    return
  }
}

#map = affine_map<(d0, d1) -> (0, 0)>
#map1 = affine_map<(d0, d1) -> (0, 0, 0)>
module attributes {stable_mosaic.version = 14 : i64} {
  func.func @_sc_unsort_body(%arg0: i32, %arg1: i32, %arg2: memref<32x4096xi32, #tpu.memory_space<hbm>>, %arg3: memref<32x4096x128xf32, #tpu.memory_space<hbm>>, %arg4: memref<32x4096x128xf32, #tpu.memory_space<hbm>>, %arg5: memref<4096xi32, #tpu.memory_space<vmem>>, %arg6: memref<128x128xf32, #tpu.memory_space<vmem>>, %arg7: memref<!tpu.dma_semaphore, #tpu.memory_space<semaphore_mem>>) attributes {dimension_semantics = [#tpu.dimension_semantics<core_parallel>, #tpu.dimension_semantics<subcore_parallel>], iteration_bounds = array<i64: 2, 16>, scalar_prefetch = 0 : i64, scratch_operands = 3 : i64, tpu.core_type = #tpu.core_type<sc_vector_subcore>, window_params = [{transform_indices = #map}, {transform_indices = #map1}, {transform_indices = #map1}]} {
    %mul3A = arith.constant 2 : i32
    %mul3A_0 = arith.muli %arg1, %mul3A : i32
    %add3A = arith.addi %mul3A_0, %arg0 : i32
    "tpu.region"() ({
      %run_scoped3A = tpu.sem_alloc : memref<!tpu.dma_semaphore, #tpu.memory_space<semaphore_mem>>
      %dma_start3A = arith.constant 0 : i32
      %dma_start3A_6 = tpu.memref_slice %arg2[%add3A, %dma_start3A] : memref<32x4096xi32, #tpu.memory_space<hbm>> -> memref<1x4096xi32, #tpu.memory_space<hbm>>
      %dma_start3A_7 = tpu.memref_squeeze %dma_start3A_6 : memref<1x4096xi32, #tpu.memory_space<hbm>> -> memref<4096xi32, #tpu.memory_space<hbm>>
      %dma_start3A_8 = arith.constant 0 : i32
      %dma_start3A_9 = tpu.memref_slice %arg2[%add3A, %dma_start3A_8] : memref<32x4096xi32, #tpu.memory_space<hbm>> -> memref<1x4096xi32, #tpu.memory_space<hbm>>
      %dma_start3A_10 = tpu.memref_squeeze %dma_start3A_9 : memref<1x4096xi32, #tpu.memory_space<hbm>> -> memref<4096xi32, #tpu.memory_space<hbm>>
      tpu.enqueue_dma source(%dma_start3A_10 : memref<4096xi32, #tpu.memory_space<hbm>>) target(%arg5 : memref<4096xi32, #tpu.memory_space<vmem>>) target_semaphore(%run_scoped3A : memref<!tpu.dma_semaphore, #tpu.memory_space<semaphore_mem>>)
      %dma_wait3A = arith.constant 0 : i32
      %dma_wait3A_11 = tpu.memref_slice %arg2[%add3A, %dma_wait3A] : memref<32x4096xi32, #tpu.memory_space<hbm>> -> memref<1x4096xi32, #tpu.memory_space<hbm>>
      %dma_wait3A_12 = tpu.memref_squeeze %dma_wait3A_11 : memref<1x4096xi32, #tpu.memory_space<hbm>> -> memref<4096xi32, #tpu.memory_space<hbm>>
      %dma_wait3A_13 = arith.constant 0 : i32
      %dma_wait3A_14 = tpu.memref_slice %arg2[%add3A, %dma_wait3A_13] : memref<32x4096xi32, #tpu.memory_space<hbm>> -> memref<1x4096xi32, #tpu.memory_space<hbm>>
      %dma_wait3A_15 = tpu.memref_squeeze %dma_wait3A_14 : memref<1x4096xi32, #tpu.memory_space<hbm>> -> memref<4096xi32, #tpu.memory_space<hbm>>
      tpu.wait_dma2 semaphore(%run_scoped3A : memref<!tpu.dma_semaphore, #tpu.memory_space<semaphore_mem>>) src(%dma_wait3A_15 : memref<4096xi32, #tpu.memory_space<hbm>>) dst(%arg5 : memref<4096xi32, #tpu.memory_space<vmem>>)
      tpu.yield
    }) : () -> ()
    %scan3A = arith.constant 0 : i32
    %scan3A_1 = arith.constant 0 : i32
    %scan3A_2 = arith.constant 32 : i32
    %scan3A_3 = arith.addi %scan3A_1, %scan3A_2 : i32
    %scan3A_4 = arith.constant 1 : i32
    scf.for %scan3A_6 = %scan3A_1 to %scan3A_3 step %scan3A_4  : i32 {
      %mul3A_7 = arith.constant 128 : i32
      %mul3A_8 = arith.muli %scan3A_6, %mul3A_7 : i32
      %dma_start3A = tpu.memref_slice %arg5[%mul3A_8] : memref<4096xi32, #tpu.memory_space<vmem>> -> memref<128xi32, #tpu.memory_space<vmem>>
      %dma_start3A_9 = arith.constant 0 : i32
      %dma_start3A_10 = arith.constant 0 : i32
      %dma_start3A_11 = tpu.memref_slice %arg3[%add3A, %dma_start3A_9, %dma_start3A_10] : memref<32x4096x128xf32, #tpu.memory_space<hbm>> -> memref<1x4096x128xf32, #tpu.memory_space<hbm>>
      %dma_start3A_12 = tpu.memref_squeeze %dma_start3A_11 : memref<1x4096x128xf32, #tpu.memory_space<hbm>> -> memref<4096x128xf32, #tpu.memory_space<hbm>>
      %dma_start3A_13 = arith.constant 0 : i32
      %dma_start3A_14 = arith.constant 0 : i32
      %dma_start3A_15 = tpu.memref_slice %dma_start3A_12[%dma_start3A_13, %dma_start3A_14] : memref<4096x128xf32, #tpu.memory_space<hbm>> -> memref<4096x128xf32, #tpu.memory_space<hbm>>
      tpu.enqueue_indirect_dma source(%dma_start3A_15 : memref<4096x128xf32, #tpu.memory_space<hbm>>) target(%arg6 : memref<128x128xf32, #tpu.memory_space<vmem>>) offsets(%dma_start3A : memref<128xi32, #tpu.memory_space<vmem>>) semaphore(%arg7 : memref<!tpu.dma_semaphore, #tpu.memory_space<semaphore_mem>>)
      %dma_wait3A = tpu.memref_slice %arg5[%mul3A_8] : memref<4096xi32, #tpu.memory_space<vmem>> -> memref<128xi32, #tpu.memory_space<vmem>>
      %dma_wait3A_16 = arith.constant 0 : i32
      %dma_wait3A_17 = arith.constant 0 : i32
      %dma_wait3A_18 = tpu.memref_slice %arg3[%add3A, %dma_wait3A_16, %dma_wait3A_17] : memref<32x4096x128xf32, #tpu.memory_space<hbm>> -> memref<1x4096x128xf32, #tpu.memory_space<hbm>>
      %dma_wait3A_19 = tpu.memref_squeeze %dma_wait3A_18 : memref<1x4096x128xf32, #tpu.memory_space<hbm>> -> memref<4096x128xf32, #tpu.memory_space<hbm>>
      %dma_wait3A_20 = arith.constant 0 : i32
      %dma_wait3A_21 = arith.constant 0 : i32
      %dma_wait3A_22 = tpu.memref_slice %dma_wait3A_19[%dma_wait3A_20, %dma_wait3A_21] : memref<4096x128xf32, #tpu.memory_space<hbm>> -> memref<4096x128xf32, #tpu.memory_space<hbm>>
      tpu.wait_indirect_dma semaphore(%arg7 : memref<!tpu.dma_semaphore, #tpu.memory_space<semaphore_mem>>) src(%dma_wait3A_22 : memref<4096x128xf32, #tpu.memory_space<hbm>>) dst(%arg6 : memref<128x128xf32, #tpu.memory_space<vmem>>)
      %mul3A_23 = arith.constant 128 : i32
      %mul3A_24 = arith.muli %scan3A_6, %mul3A_23 : i32
      "tpu.region"() ({
        %run_scoped3A = tpu.sem_alloc : memref<!tpu.dma_semaphore, #tpu.memory_space<semaphore_mem>>
        %dma_start3A_25 = arith.constant 0 : i32
        %dma_start3A_26 = tpu.memref_slice %arg4[%add3A, %mul3A_24, %dma_start3A_25] : memref<32x4096x128xf32, #tpu.memory_space<hbm>> -> memref<1x128x128xf32, #tpu.memory_space<hbm>>
        %dma_start3A_27 = tpu.memref_squeeze %dma_start3A_26 : memref<1x128x128xf32, #tpu.memory_space<hbm>> -> memref<128x128xf32, #tpu.memory_space<hbm>>
        %dma_start3A_28 = arith.constant 0 : i32
        %dma_start3A_29 = tpu.memref_slice %arg4[%add3A, %mul3A_24, %dma_start3A_28] : memref<32x4096x128xf32, #tpu.memory_space<hbm>> -> memref<1x128x128xf32, #tpu.memory_space<hbm>>
        %dma_start3A_30 = tpu.memref_squeeze %dma_start3A_29 : memref<1x128x128xf32, #tpu.memory_space<hbm>> -> memref<128x128xf32, #tpu.memory_space<hbm>>
        tpu.enqueue_dma source(%arg6 : memref<128x128xf32, #tpu.memory_space<vmem>>) target(%dma_start3A_30 : memref<128x128xf32, #tpu.memory_space<hbm>>) target_semaphore(%run_scoped3A : memref<!tpu.dma_semaphore, #tpu.memory_space<semaphore_mem>>)
        %dma_wait3A_31 = arith.constant 0 : i32
        %dma_wait3A_32 = tpu.memref_slice %arg4[%add3A, %mul3A_24, %dma_wait3A_31] : memref<32x4096x128xf32, #tpu.memory_space<hbm>> -> memref<1x128x128xf32, #tpu.memory_space<hbm>>
        %dma_wait3A_33 = tpu.memref_squeeze %dma_wait3A_32 : memref<1x128x128xf32, #tpu.memory_space<hbm>> -> memref<128x128xf32, #tpu.memory_space<hbm>>
        %dma_wait3A_34 = arith.constant 0 : i32
        %dma_wait3A_35 = tpu.memref_slice %arg4[%add3A, %mul3A_24, %dma_wait3A_34] : memref<32x4096x128xf32, #tpu.memory_space<hbm>> -> memref<1x128x128xf32, #tpu.memory_space<hbm>>
        %dma_wait3A_36 = tpu.memref_squeeze %dma_wait3A_35 : memref<1x128x128xf32, #tpu.memory_space<hbm>> -> memref<128x128xf32, #tpu.memory_space<hbm>>
        tpu.wait_dma2 semaphore(%run_scoped3A : memref<!tpu.dma_semaphore, #tpu.memory_space<semaphore_mem>>) src(%arg6 : memref<128x128xf32, #tpu.memory_space<vmem>>) dst(%dma_wait3A_36 : memref<128x128xf32, #tpu.memory_space<hbm>>)
        tpu.yield
      }) : () -> ()
    }
    %scan3A_5 = arith.constant 32 : i32
    return
  }
}

module attributes {stable_mosaic.version = 14 : i64} {
  func.func @_k1_body(%arg0: i32, %arg1: memref<1x4096x64xf32, #tpu.memory_space<vmem>>, %arg2: memref<64x128xf32, #tpu.memory_space<vmem>>, %arg3: memref<1x128xf32, #tpu.memory_space<vmem>>, %arg4: memref<1x128xf32, #tpu.memory_space<vmem>>, %arg5: memref<1x128xf32, #tpu.memory_space<vmem>>, %arg6: memref<128x64xf32, #tpu.memory_space<vmem>>, %arg7: memref<128x128xf32, #tpu.memory_space<vmem>>, %arg8: memref<1x4096x128xf32, #tpu.memory_space<vmem>>, %arg9: memref<1x8x4096xi32, #tpu.memory_space<vmem>>, %arg10: memref<1x1x64xf32, #tpu.memory_space<vmem>>) attributes {dimension_semantics = [#tpu.dimension_semantics<arbitrary>], iteration_bounds = array<i64: 32>, scalar_prefetch = 0 : i64, scratch_operands = 0 : i64, tpu.core_type = #tpu.core_type<tc>, window_params = [{transform_indices = @transform_0, window_bounds = array<i64: 1, 4096, 64>}, {pipeline_mode = #tpu.pipeline_mode<synchronous>, transform_indices = @transform_1, window_bounds = array<i64: 64, 128>}, {pipeline_mode = #tpu.pipeline_mode<synchronous>, transform_indices = @transform_2, window_bounds = array<i64: 1, 128>}, {pipeline_mode = #tpu.pipeline_mode<synchronous>, transform_indices = @transform_3, window_bounds = array<i64: 1, 128>}, {pipeline_mode = #tpu.pipeline_mode<synchronous>, transform_indices = @transform_4, window_bounds = array<i64: 1, 128>}, {pipeline_mode = #tpu.pipeline_mode<synchronous>, transform_indices = @transform_5, window_bounds = array<i64: 128, 64>}, {pipeline_mode = #tpu.pipeline_mode<synchronous>, transform_indices = @transform_6, window_bounds = array<i64: 128, 128>}, {transform_indices = @transform_7, window_bounds = array<i64: 1, 4096, 128>}, {transform_indices = @transform_8, window_bounds = array<i64: 1, 8, 4096>}, {transform_indices = @transform_9, window_bounds = array<i64: 1, 1, 64>}]} {
    %get3A = arith.constant 0 : index
    %get3A_0 = arith.constant 0 : index
    %get3A_1 = arith.constant 0 : index
    %get3A_2 = vector.load %arg1[%get3A, %get3A_0, %get3A_1] : memref<1x4096x64xf32, #tpu.memory_space<vmem>>, vector<1x4096x64xf32>
    %get3A_3 = vector.shape_cast %get3A_2 : vector<1x4096x64xf32> to vector<4096x64xf32>
    %get3A_4 = arith.constant 0 : index
    %get3A_5 = arith.constant 0 : index
    %get3A_6 = vector.load %arg2[%get3A_4, %get3A_5] : memref<64x128xf32, #tpu.memory_space<vmem>>, vector<64x128xf32>
    %get3A_7 = arith.constant 0 : index
    %get3A_8 = arith.constant 0 : index
    %get3A_9 = vector.load %arg3[%get3A_7, %get3A_8] : memref<1x128xf32, #tpu.memory_space<vmem>>, vector<1x128xf32>
    %get3A_10 = arith.constant 0 : index
    %get3A_11 = arith.constant 0 : index
    %get3A_12 = vector.load %arg4[%get3A_10, %get3A_11] : memref<1x128xf32, #tpu.memory_space<vmem>>, vector<1x128xf32>
    %get3A_13 = arith.constant 0 : index
    %get3A_14 = arith.constant 0 : index
    %get3A_15 = vector.load %arg5[%get3A_13, %get3A_14] : memref<1x128xf32, #tpu.memory_space<vmem>>, vector<1x128xf32>
    %get3A_16 = arith.constant 0 : index
    %get3A_17 = arith.constant 0 : index
    %get3A_18 = vector.load %arg6[%get3A_16, %get3A_17] : memref<128x64xf32, #tpu.memory_space<vmem>>, vector<128x64xf32>
    %get3A_19 = arith.constant 0 : index
    %get3A_20 = arith.constant 0 : index
    %get3A_21 = vector.load %arg7[%get3A_19, %get3A_20] : memref<128x128xf32, #tpu.memory_space<vmem>>, vector<128x128xf32>
    %dot_general3A = arith.constant dense<0.000000e+00> : vector<4096x128xf32>
    %dot_general3A_22 = tpu.matmul %get3A_3, %get3A_6, %dot_general3A {dimension_numbers = #tpu.dot_dimension_numbers<[1], [0], [0], [1], [0, 0, 1, 1], [], []>, transpose_lhs_hint = false} : vector<4096x64xf32>, vector<64x128xf32>, vector<4096x128xf32> -> vector<4096x128xf32>
    %add3A = vector.broadcast %get3A_9 : vector<1x128xf32> to vector<4096x128xf32>
    %add3A_23 = arith.addf %dot_general3A_22, %add3A : vector<4096x128xf32>
    %slice3A = vector.extract_strided_slice %add3A_23 {offsets = [0, 0], sizes = [4096, 64], strides = [1, 1]} : vector<4096x128xf32> to vector<4096x64xf32>
    %slice3A_24 = vector.extract_strided_slice %get3A_12 {offsets = [0, 0], sizes = [1, 64], strides = [1, 1]} : vector<1x128xf32> to vector<1x64xf32>
    %slice3A_25 = vector.extract_strided_slice %get3A_15 {offsets = [0, 0], sizes = [1, 64], strides = [1, 1]} : vector<1x128xf32> to vector<1x64xf32>
    %reduce_sum3A = arith.constant dense<0.000000e+00> : vector<4096xf32>
    %reduce_sum3A_26 = vector.multi_reduction <add>, %slice3A, %reduce_sum3A [1] : vector<4096x64xf32> to vector<4096xf32>
    %broadcast_in_dim3A = vector.shape_cast %reduce_sum3A_26 : vector<4096xf32> to vector<4096x1xf32>
    %div3A = arith.constant 6.400000e+01 : f32
    %div3A_27 = vector.broadcast %div3A : f32 to vector<4096x1xf32>
    %div3A_28 = arith.divf %broadcast_in_dim3A, %div3A_27 : vector<4096x1xf32>
    %sub3A = vector.broadcast %div3A_28 : vector<4096x1xf32> to vector<4096x64xf32>
    %sub3A_29 = arith.subf %slice3A, %sub3A : vector<4096x64xf32>
    %integer_pow3A = arith.mulf %sub3A_29, %sub3A_29 : vector<4096x64xf32>
    %reduce_sum3A_30 = arith.constant dense<0.000000e+00> : vector<4096xf32>
    %reduce_sum3A_31 = vector.multi_reduction <add>, %integer_pow3A, %reduce_sum3A_30 [1] : vector<4096x64xf32> to vector<4096xf32>
    %broadcast_in_dim3A_32 = vector.shape_cast %reduce_sum3A_31 : vector<4096xf32> to vector<4096x1xf32>
    %div3A_33 = arith.constant 6.400000e+01 : f32
    %div3A_34 = vector.broadcast %div3A_33 : f32 to vector<4096x1xf32>
    %div3A_35 = arith.divf %broadcast_in_dim3A_32, %div3A_34 : vector<4096x1xf32>
    %sub3A_36 = vector.broadcast %div3A_28 : vector<4096x1xf32> to vector<4096x64xf32>
    %sub3A_37 = arith.subf %slice3A, %sub3A_36 : vector<4096x64xf32>
    %add3A_38 = arith.constant 9.99999974E-6 : f32
    %add3A_39 = vector.broadcast %add3A_38 : f32 to vector<4096x1xf32>
    %add3A_40 = arith.addf %div3A_35, %add3A_39 : vector<4096x1xf32>
    %sqrt3A = math.sqrt %add3A_40 : vector<4096x1xf32>
    %div3A_41 = vector.broadcast %sqrt3A : vector<4096x1xf32> to vector<4096x64xf32>
    %div3A_42 = arith.divf %sub3A_37, %div3A_41 : vector<4096x64xf32>
    %mul3A = vector.broadcast %slice3A_24 : vector<1x64xf32> to vector<4096x64xf32>
    %mul3A_43 = arith.mulf %div3A_42, %mul3A : vector<4096x64xf32>
    %add3A_44 = vector.broadcast %slice3A_25 : vector<1x64xf32> to vector<4096x64xf32>
    %add3A_45 = arith.addf %mul3A_43, %add3A_44 : vector<4096x64xf32>
    %max3A = arith.constant 0.000000e+00 : f32
    %max3A_46 = vector.broadcast %max3A : f32 to vector<4096x64xf32>
    %max3A_47 = arith.maximumf %add3A_45, %max3A_46 : vector<4096x64xf32>
    %slice3A_48 = vector.extract_strided_slice %add3A_23 {offsets = [0, 64], sizes = [4096, 64], strides = [1, 1]} : vector<4096x128xf32> to vector<4096x64xf32>
    %slice3A_49 = vector.extract_strided_slice %get3A_12 {offsets = [0, 64], sizes = [1, 64], strides = [1, 1]} : vector<1x128xf32> to vector<1x64xf32>
    %slice3A_50 = vector.extract_strided_slice %get3A_15 {offsets = [0, 64], sizes = [1, 64], strides = [1, 1]} : vector<1x128xf32> to vector<1x64xf32>
    %reduce_sum3A_51 = arith.constant dense<0.000000e+00> : vector<4096xf32>
    %reduce_sum3A_52 = vector.multi_reduction <add>, %slice3A_48, %reduce_sum3A_51 [1] : vector<4096x64xf32> to vector<4096xf32>
    %broadcast_in_dim3A_53 = vector.shape_cast %reduce_sum3A_52 : vector<4096xf32> to vector<4096x1xf32>
    %div3A_54 = arith.constant 6.400000e+01 : f32
    %div3A_55 = vector.broadcast %div3A_54 : f32 to vector<4096x1xf32>
    %div3A_56 = arith.divf %broadcast_in_dim3A_53, %div3A_55 : vector<4096x1xf32>
    %sub3A_57 = vector.broadcast %div3A_56 : vector<4096x1xf32> to vector<4096x64xf32>
    %sub3A_58 = arith.subf %slice3A_48, %sub3A_57 : vector<4096x64xf32>
    %integer_pow3A_59 = arith.mulf %sub3A_58, %sub3A_58 : vector<4096x64xf32>
    %reduce_sum3A_60 = arith.constant dense<0.000000e+00> : vector<4096xf32>
    %reduce_sum3A_61 = vector.multi_reduction <add>, %integer_pow3A_59, %reduce_sum3A_60 [1] : vector<4096x64xf32> to vector<4096xf32>
    %broadcast_in_dim3A_62 = vector.shape_cast %reduce_sum3A_61 : vector<4096xf32> to vector<4096x1xf32>
    %div3A_63 = arith.constant 6.400000e+01 : f32
    %div3A_64 = vector.broadcast %div3A_63 : f32 to vector<4096x1xf32>
    %div3A_65 = arith.divf %broadcast_in_dim3A_62, %div3A_64 : vector<4096x1xf32>
    %sub3A_66 = vector.broadcast %div3A_56 : vector<4096x1xf32> to vector<4096x64xf32>
    %sub3A_67 = arith.subf %slice3A_48, %sub3A_66 : vector<4096x64xf32>
    %add3A_68 = arith.constant 9.99999974E-6 : f32
    %add3A_69 = vector.broadcast %add3A_68 : f32 to vector<4096x1xf32>
    %add3A_70 = arith.addf %div3A_65, %add3A_69 : vector<4096x1xf32>
    %sqrt3A_71 = math.sqrt %add3A_70 : vector<4096x1xf32>
    %div3A_72 = vector.broadcast %sqrt3A_71 : vector<4096x1xf32> to vector<4096x64xf32>
    %div3A_73 = arith.divf %sub3A_67, %div3A_72 : vector<4096x64xf32>
    %mul3A_74 = vector.broadcast %slice3A_49 : vector<1x64xf32> to vector<4096x64xf32>
    %mul3A_75 = arith.mulf %div3A_73, %mul3A_74 : vector<4096x64xf32>
    %add3A_76 = vector.broadcast %slice3A_50 : vector<1x64xf32> to vector<4096x64xf32>
    %add3A_77 = arith.addf %mul3A_75, %add3A_76 : vector<4096x64xf32>
    %max3A_78 = arith.constant 0.000000e+00 : f32
    %max3A_79 = vector.broadcast %max3A_78 : f32 to vector<4096x64xf32>
    %max3A_80 = arith.maximumf %add3A_77, %max3A_79 : vector<4096x64xf32>
    %mul3A_81 = arith.mulf %max3A_47, %max3A_47 : vector<4096x64xf32>
    %reduce_sum3A_82 = arith.constant dense<0.000000e+00> : vector<64xf32>
    %reduce_sum3A_83 = vector.multi_reduction <add>, %mul3A_81, %reduce_sum3A_82 [0] : vector<4096x64xf32> to vector<64xf32>
    %broadcast_in_dim3A_84 = vector.shape_cast %reduce_sum3A_83 : vector<64xf32> to vector<1x64xf32>
    %sqrt3A_85 = math.sqrt %broadcast_in_dim3A_84 : vector<1x64xf32>
    %max3A_86 = arith.constant 9.99999996E-13 : f32
    %max3A_87 = vector.broadcast %max3A_86 : f32 to vector<1x64xf32>
    %max3A_88 = arith.maximumf %sqrt3A_85, %max3A_87 : vector<1x64xf32>
    %div3A_89 = vector.broadcast %max3A_88 : vector<1x64xf32> to vector<4096x64xf32>
    %div3A_90 = arith.divf %max3A_47, %div3A_89 : vector<4096x64xf32>
    %max3A_91 = arith.constant 5.000000e-05 : f32
    %max3A_92 = vector.broadcast %max3A_91 : f32 to vector<1x64xf32>
    %max3A_93 = arith.maximumf %sqrt3A_85, %max3A_92 : vector<1x64xf32>
    %div3A_94 = arith.constant 1.000000e+00 : f32
    %div3A_95 = vector.broadcast %div3A_94 : f32 to vector<1x64xf32>
    %div3A_96 = arith.divf %div3A_95, %max3A_93 : vector<1x64xf32>
    %dot_general3A_97 = arith.constant dense<0.000000e+00> : vector<4096x128xf32>
    %dot_general3A_98 = tpu.matmul %div3A_90, %get3A_18, %dot_general3A_97 {dimension_numbers = #tpu.dot_dimension_numbers<[1], [1], [0], [0], [0, 0, 1, 0], [], []>, transpose_lhs_hint = false} : vector<4096x64xf32>, vector<128x64xf32>, vector<4096x128xf32> -> vector<4096x128xf32>
    %reduce_max3A = arith.constant dense<0xFF800000> : vector<4096xf32>
    %reduce_max3A_99 = vector.multi_reduction <maximumf>, %dot_general3A_98, %reduce_max3A [1] : vector<4096x128xf32> to vector<4096xf32>
    %broadcast_in_dim3A_100 = vector.shape_cast %reduce_max3A_99 : vector<4096xf32> to vector<4096x1xf32>
    %iota3A = tpu.iota {dimensions = array<i32: 1>} : vector<4096x128xi32>
    %eq3A = vector.broadcast %broadcast_in_dim3A_100 : vector<4096x1xf32> to vector<4096x128xf32>
    %eq3A_101 = arith.cmpf oeq, %dot_general3A_98, %eq3A : vector<4096x128xf32>
    %jit3A = arith.constant 128 : i32
    %broadcast_in_dim3A_102 = vector.broadcast %jit3A : i32 to vector<4096x128xi32>
    %select_n3A = arith.select %eq3A_101, %iota3A, %broadcast_in_dim3A_102 : vector<4096x128xi1>, vector<4096x128xi32>
    %reduce_min3A = arith.constant dense<2147483647> : vector<4096xi32>
    %reduce_min3A_103 = vector.multi_reduction <minsi>, %select_n3A, %reduce_min3A [1] : vector<4096x128xi32> to vector<4096xi32>
    %broadcast_in_dim3A_104 = vector.shape_cast %reduce_min3A_103 : vector<4096xi32> to vector<4096x1xi32>
    %convert_element_type3A = arith.sitofp %broadcast_in_dim3A_104 : vector<4096x1xi32> to vector<4096x1xf32>
    %slice3A_105 = vector.extract_strided_slice %convert_element_type3A {offsets = [0, 0], sizes = [128, 1], strides = [1, 1]} : vector<4096x1xf32> to vector<128x1xf32>
    %dot_general3A_106 = arith.constant dense<0.000000e+00> : vector<1x128xf32>
    %dot_general3A_107 = tpu.matmul %slice3A_105, %get3A_21, %dot_general3A_106 {dimension_numbers = #tpu.dot_dimension_numbers<[0], [0], [1], [1], [0, 1, 1, 1], [], []>, transpose_lhs_hint = false} : vector<128x1xf32>, vector<128x128xf32>, vector<1x128xf32> -> vector<1x128xf32>
    %slice3A_108 = vector.extract_strided_slice %convert_element_type3A {offsets = [128, 0], sizes = [128, 1], strides = [1, 1]} : vector<4096x1xf32> to vector<128x1xf32>
    %dot_general3A_109 = arith.constant dense<0.000000e+00> : vector<1x128xf32>
    %dot_general3A_110 = tpu.matmul %slice3A_108, %get3A_21, %dot_general3A_109 {dimension_numbers = #tpu.dot_dimension_numbers<[0], [0], [1], [1], [0, 1, 1, 1], [], []>, transpose_lhs_hint = false} : vector<128x1xf32>, vector<128x128xf32>, vector<1x128xf32> -> vector<1x128xf32>
    %slice3A_111 = vector.extract_strided_slice %convert_element_type3A {offsets = [256, 0], sizes = [128, 1], strides = [1, 1]} : vector<4096x1xf32> to vector<128x1xf32>
    %dot_general3A_112 = arith.constant dense<0.000000e+00> : vector<1x128xf32>
    %dot_general3A_113 = tpu.matmul %slice3A_111, %get3A_21, %dot_general3A_112 {dimension_numbers = #tpu.dot_dimension_numbers<[0], [0], [1], [1], [0, 1, 1, 1], [], []>, transpose_lhs_hint = false} : vector<128x1xf32>, vector<128x128xf32>, vector<1x128xf32> -> vector<1x128xf32>
    %slice3A_114 = vector.extract_strided_slice %convert_element_type3A {offsets = [384, 0], sizes = [128, 1], strides = [1, 1]} : vector<4096x1xf32> to vector<128x1xf32>
    %dot_general3A_115 = arith.constant dense<0.000000e+00> : vector<1x128xf32>
    %dot_general3A_116 = tpu.matmul %slice3A_114, %get3A_21, %dot_general3A_115 {dimension_numbers = #tpu.dot_dimension_numbers<[0], [0], [1], [1], [0, 1, 1, 1], [], []>, transpose_lhs_hint = false} : vector<128x1xf32>, vector<128x128xf32>, vector<1x128xf32> -> vector<1x128xf32>
    %slice3A_117 = vector.extract_strided_slice %convert_element_type3A {offsets = [512, 0], sizes = [128, 1], strides = [1, 1]} : vector<4096x1xf32> to vector<128x1xf32>
    %dot_general3A_118 = arith.constant dense<0.000000e+00> : vector<1x128xf32>
    %dot_general3A_119 = tpu.matmul %slice3A_117, %get3A_21, %dot_general3A_118 {dimension_numbers = #tpu.dot_dimension_numbers<[0], [0], [1], [1], [0, 1, 1, 1], [], []>, transpose_lhs_hint = false} : vector<128x1xf32>, vector<128x128xf32>, vector<1x128xf32> -> vector<1x128xf32>
    %slice3A_120 = vector.extract_strided_slice %convert_element_type3A {offsets = [640, 0], sizes = [128, 1], strides = [1, 1]} : vector<4096x1xf32> to vector<128x1xf32>
    %dot_general3A_121 = arith.constant dense<0.000000e+00> : vector<1x128xf32>
    %dot_general3A_122 = tpu.matmul %slice3A_120, %get3A_21, %dot_general3A_121 {dimension_numbers = #tpu.dot_dimension_numbers<[0], [0], [1], [1], [0, 1, 1, 1], [], []>, transpose_lhs_hint = false} : vector<128x1xf32>, vector<128x128xf32>, vector<1x128xf32> -> vector<1x128xf32>
    %slice3A_123 = vector.extract_strided_slice %convert_element_type3A {offsets = [768, 0], sizes = [128, 1], strides = [1, 1]} : vector<4096x1xf32> to vector<128x1xf32>
    %dot_general3A_124 = arith.constant dense<0.000000e+00> : vector<1x128xf32>
    %dot_general3A_125 = tpu.matmul %slice3A_123, %get3A_21, %dot_general3A_124 {dimension_numbers = #tpu.dot_dimension_numbers<[0], [0], [1], [1], [0, 1, 1, 1], [], []>, transpose_lhs_hint = false} : vector<128x1xf32>, vector<128x128xf32>, vector<1x128xf32> -> vector<1x128xf32>
    %slice3A_126 = vector.extract_strided_slice %convert_element_type3A {offsets = [896, 0], sizes = [128, 1], strides = [1, 1]} : vector<4096x1xf32> to vector<128x1xf32>
    %dot_general3A_127 = arith.constant dense<0.000000e+00> : vector<1x128xf32>
    %dot_general3A_128 = tpu.matmul %slice3A_126, %get3A_21, %dot_general3A_127 {dimension_numbers = #tpu.dot_dimension_numbers<[0], [0], [1], [1], [0, 1, 1, 1], [], []>, transpose_lhs_hint = false} : vector<128x1xf32>, vector<128x128xf32>, vector<1x128xf32> -> vector<1x128xf32>
    %slice3A_129 = vector.extract_strided_slice %convert_element_type3A {offsets = [1024, 0], sizes = [128, 1], strides = [1, 1]} : vector<4096x1xf32> to vector<128x1xf32>
    %dot_general3A_130 = arith.constant dense<0.000000e+00> : vector<1x128xf32>
    %dot_general3A_131 = tpu.matmul %slice3A_129, %get3A_21, %dot_general3A_130 {dimension_numbers = #tpu.dot_dimension_numbers<[0], [0], [1], [1], [0, 1, 1, 1], [], []>, transpose_lhs_hint = false} : vector<128x1xf32>, vector<128x128xf32>, vector<1x128xf32> -> vector<1x128xf32>
    %slice3A_132 = vector.extract_strided_slice %convert_element_type3A {offsets = [1152, 0], sizes = [128, 1], strides = [1, 1]} : vector<4096x1xf32> to vector<128x1xf32>
    %dot_general3A_133 = arith.constant dense<0.000000e+00> : vector<1x128xf32>
    %dot_general3A_134 = tpu.matmul %slice3A_132, %get3A_21, %dot_general3A_133 {dimension_numbers = #tpu.dot_dimension_numbers<[0], [0], [1], [1], [0, 1, 1, 1], [], []>, transpose_lhs_hint = false} : vector<128x1xf32>, vector<128x128xf32>, vector<1x128xf32> -> vector<1x128xf32>
    %slice3A_135 = vector.extract_strided_slice %convert_element_type3A {offsets = [1280, 0], sizes = [128, 1], strides = [1, 1]} : vector<4096x1xf32> to vector<128x1xf32>
    %dot_general3A_136 = arith.constant dense<0.000000e+00> : vector<1x128xf32>
    %dot_general3A_137 = tpu.matmul %slice3A_135, %get3A_21, %dot_general3A_136 {dimension_numbers = #tpu.dot_dimension_numbers<[0], [0], [1], [1], [0, 1, 1, 1], [], []>, transpose_lhs_hint = false} : vector<128x1xf32>, vector<128x128xf32>, vector<1x128xf32> -> vector<1x128xf32>
    %slice3A_138 = vector.extract_strided_slice %convert_element_type3A {offsets = [1408, 0], sizes = [128, 1], strides = [1, 1]} : vector<4096x1xf32> to vector<128x1xf32>
    %dot_general3A_139 = arith.constant dense<0.000000e+00> : vector<1x128xf32>
    %dot_general3A_140 = tpu.matmul %slice3A_138, %get3A_21, %dot_general3A_139 {dimension_numbers = #tpu.dot_dimension_numbers<[0], [0], [1], [1], [0, 1, 1, 1], [], []>, transpose_lhs_hint = false} : vector<128x1xf32>, vector<128x128xf32>, vector<1x128xf32> -> vector<1x128xf32>
    %slice3A_141 = vector.extract_strided_slice %convert_element_type3A {offsets = [1536, 0], sizes = [128, 1], strides = [1, 1]} : vector<4096x1xf32> to vector<128x1xf32>
    %dot_general3A_142 = arith.constant dense<0.000000e+00> : vector<1x128xf32>
    %dot_general3A_143 = tpu.matmul %slice3A_141, %get3A_21, %dot_general3A_142 {dimension_numbers = #tpu.dot_dimension_numbers<[0], [0], [1], [1], [0, 1, 1, 1], [], []>, transpose_lhs_hint = false} : vector<128x1xf32>, vector<128x128xf32>, vector<1x128xf32> -> vector<1x128xf32>
    %slice3A_144 = vector.extract_strided_slice %convert_element_type3A {offsets = [1664, 0], sizes = [128, 1], strides = [1, 1]} : vector<4096x1xf32> to vector<128x1xf32>
    %dot_general3A_145 = arith.constant dense<0.000000e+00> : vector<1x128xf32>
    %dot_general3A_146 = tpu.matmul %slice3A_144, %get3A_21, %dot_general3A_145 {dimension_numbers = #tpu.dot_dimension_numbers<[0], [0], [1], [1], [0, 1, 1, 1], [], []>, transpose_lhs_hint = false} : vector<128x1xf32>, vector<128x128xf32>, vector<1x128xf32> -> vector<1x128xf32>
    %slice3A_147 = vector.extract_strided_slice %convert_element_type3A {offsets = [1792, 0], sizes = [128, 1], strides = [1, 1]} : vector<4096x1xf32> to vector<128x1xf32>
    %dot_general3A_148 = arith.constant dense<0.000000e+00> : vector<1x128xf32>
    %dot_general3A_149 = tpu.matmul %slice3A_147, %get3A_21, %dot_general3A_148 {dimension_numbers = #tpu.dot_dimension_numbers<[0], [0], [1], [1], [0, 1, 1, 1], [], []>, transpose_lhs_hint = false} : vector<128x1xf32>, vector<128x128xf32>, vector<1x128xf32> -> vector<1x128xf32>
    %slice3A_150 = vector.extract_strided_slice %convert_element_type3A {offsets = [1920, 0], sizes = [128, 1], strides = [1, 1]} : vector<4096x1xf32> to vector<128x1xf32>
    %dot_general3A_151 = arith.constant dense<0.000000e+00> : vector<1x128xf32>
    %dot_general3A_152 = tpu.matmul %slice3A_150, %get3A_21, %dot_general3A_151 {dimension_numbers = #tpu.dot_dimension_numbers<[0], [0], [1], [1], [0, 1, 1, 1], [], []>, transpose_lhs_hint = false} : vector<128x1xf32>, vector<128x128xf32>, vector<1x128xf32> -> vector<1x128xf32>
    %slice3A_153 = vector.extract_strided_slice %convert_element_type3A {offsets = [2048, 0], sizes = [128, 1], strides = [1, 1]} : vector<4096x1xf32> to vector<128x1xf32>
    %dot_general3A_154 = arith.constant dense<0.000000e+00> : vector<1x128xf32>
    %dot_general3A_155 = tpu.matmul %slice3A_153, %get3A_21, %dot_general3A_154 {dimension_numbers = #tpu.dot_dimension_numbers<[0], [0], [1], [1], [0, 1, 1, 1], [], []>, transpose_lhs_hint = false} : vector<128x1xf32>, vector<128x128xf32>, vector<1x128xf32> -> vector<1x128xf32>
    %slice3A_156 = vector.extract_strided_slice %convert_element_type3A {offsets = [2176, 0], sizes = [128, 1], strides = [1, 1]} : vector<4096x1xf32> to vector<128x1xf32>
    %dot_general3A_157 = arith.constant dense<0.000000e+00> : vector<1x128xf32>
    %dot_general3A_158 = tpu.matmul %slice3A_156, %get3A_21, %dot_general3A_157 {dimension_numbers = #tpu.dot_dimension_numbers<[0], [0], [1], [1], [0, 1, 1, 1], [], []>, transpose_lhs_hint = false} : vector<128x1xf32>, vector<128x128xf32>, vector<1x128xf32> -> vector<1x128xf32>
    %slice3A_159 = vector.extract_strided_slice %convert_element_type3A {offsets = [2304, 0], sizes = [128, 1], strides = [1, 1]} : vector<4096x1xf32> to vector<128x1xf32>
    %dot_general3A_160 = arith.constant dense<0.000000e+00> : vector<1x128xf32>
    %dot_general3A_161 = tpu.matmul %slice3A_159, %get3A_21, %dot_general3A_160 {dimension_numbers = #tpu.dot_dimension_numbers<[0], [0], [1], [1], [0, 1, 1, 1], [], []>, transpose_lhs_hint = false} : vector<128x1xf32>, vector<128x128xf32>, vector<1x128xf32> -> vector<1x128xf32>
    %slice3A_162 = vector.extract_strided_slice %convert_element_type3A {offsets = [2432, 0], sizes = [128, 1], strides = [1, 1]} : vector<4096x1xf32> to vector<128x1xf32>
    %dot_general3A_163 = arith.constant dense<0.000000e+00> : vector<1x128xf32>
    %dot_general3A_164 = tpu.matmul %slice3A_162, %get3A_21, %dot_general3A_163 {dimension_numbers = #tpu.dot_dimension_numbers<[0], [0], [1], [1], [0, 1, 1, 1], [], []>, transpose_lhs_hint = false} : vector<128x1xf32>, vector<128x128xf32>, vector<1x128xf32> -> vector<1x128xf32>
    %slice3A_165 = vector.extract_strided_slice %convert_element_type3A {offsets = [2560, 0], sizes = [128, 1], strides = [1, 1]} : vector<4096x1xf32> to vector<128x1xf32>
    %dot_general3A_166 = arith.constant dense<0.000000e+00> : vector<1x128xf32>
    %dot_general3A_167 = tpu.matmul %slice3A_165, %get3A_21, %dot_general3A_166 {dimension_numbers = #tpu.dot_dimension_numbers<[0], [0], [1], [1], [0, 1, 1, 1], [], []>, transpose_lhs_hint = false} : vector<128x1xf32>, vector<128x128xf32>, vector<1x128xf32> -> vector<1x128xf32>
    %slice3A_168 = vector.extract_strided_slice %convert_element_type3A {offsets = [2688, 0], sizes = [128, 1], strides = [1, 1]} : vector<4096x1xf32> to vector<128x1xf32>
    %dot_general3A_169 = arith.constant dense<0.000000e+00> : vector<1x128xf32>
    %dot_general3A_170 = tpu.matmul %slice3A_168, %get3A_21, %dot_general3A_169 {dimension_numbers = #tpu.dot_dimension_numbers<[0], [0], [1], [1], [0, 1, 1, 1], [], []>, transpose_lhs_hint = false} : vector<128x1xf32>, vector<128x128xf32>, vector<1x128xf32> -> vector<1x128xf32>
    %slice3A_171 = vector.extract_strided_slice %convert_element_type3A {offsets = [2816, 0], sizes = [128, 1], strides = [1, 1]} : vector<4096x1xf32> to vector<128x1xf32>
    %dot_general3A_172 = arith.constant dense<0.000000e+00> : vector<1x128xf32>
    %dot_general3A_173 = tpu.matmul %slice3A_171, %get3A_21, %dot_general3A_172 {dimension_numbers = #tpu.dot_dimension_numbers<[0], [0], [1], [1], [0, 1, 1, 1], [], []>, transpose_lhs_hint = false} : vector<128x1xf32>, vector<128x128xf32>, vector<1x128xf32> -> vector<1x128xf32>
    %slice3A_174 = vector.extract_strided_slice %convert_element_type3A {offsets = [2944, 0], sizes = [128, 1], strides = [1, 1]} : vector<4096x1xf32> to vector<128x1xf32>
    %dot_general3A_175 = arith.constant dense<0.000000e+00> : vector<1x128xf32>
    %dot_general3A_176 = tpu.matmul %slice3A_174, %get3A_21, %dot_general3A_175 {dimension_numbers = #tpu.dot_dimension_numbers<[0], [0], [1], [1], [0, 1, 1, 1], [], []>, transpose_lhs_hint = false} : vector<128x1xf32>, vector<128x128xf32>, vector<1x128xf32> -> vector<1x128xf32>
    %slice3A_177 = vector.extract_strided_slice %convert_element_type3A {offsets = [3072, 0], sizes = [128, 1], strides = [1, 1]} : vector<4096x1xf32> to vector<128x1xf32>
    %dot_general3A_178 = arith.constant dense<0.000000e+00> : vector<1x128xf32>
    %dot_general3A_179 = tpu.matmul %slice3A_177, %get3A_21, %dot_general3A_178 {dimension_numbers = #tpu.dot_dimension_numbers<[0], [0], [1], [1], [0, 1, 1, 1], [], []>, transpose_lhs_hint = false} : vector<128x1xf32>, vector<128x128xf32>, vector<1x128xf32> -> vector<1x128xf32>
    %slice3A_180 = vector.extract_strided_slice %convert_element_type3A {offsets = [3200, 0], sizes = [128, 1], strides = [1, 1]} : vector<4096x1xf32> to vector<128x1xf32>
    %dot_general3A_181 = arith.constant dense<0.000000e+00> : vector<1x128xf32>
    %dot_general3A_182 = tpu.matmul %slice3A_180, %get3A_21, %dot_general3A_181 {dimension_numbers = #tpu.dot_dimension_numbers<[0], [0], [1], [1], [0, 1, 1, 1], [], []>, transpose_lhs_hint = false} : vector<128x1xf32>, vector<128x128xf32>, vector<1x128xf32> -> vector<1x128xf32>
    %slice3A_183 = vector.extract_strided_slice %convert_element_type3A {offsets = [3328, 0], sizes = [128, 1], strides = [1, 1]} : vector<4096x1xf32> to vector<128x1xf32>
    %dot_general3A_184 = arith.constant dense<0.000000e+00> : vector<1x128xf32>
    %dot_general3A_185 = tpu.matmul %slice3A_183, %get3A_21, %dot_general3A_184 {dimension_numbers = #tpu.dot_dimension_numbers<[0], [0], [1], [1], [0, 1, 1, 1], [], []>, transpose_lhs_hint = false} : vector<128x1xf32>, vector<128x128xf32>, vector<1x128xf32> -> vector<1x128xf32>
    %slice3A_186 = vector.extract_strided_slice %convert_element_type3A {offsets = [3456, 0], sizes = [128, 1], strides = [1, 1]} : vector<4096x1xf32> to vector<128x1xf32>
    %dot_general3A_187 = arith.constant dense<0.000000e+00> : vector<1x128xf32>
    %dot_general3A_188 = tpu.matmul %slice3A_186, %get3A_21, %dot_general3A_187 {dimension_numbers = #tpu.dot_dimension_numbers<[0], [0], [1], [1], [0, 1, 1, 1], [], []>, transpose_lhs_hint = false} : vector<128x1xf32>, vector<128x128xf32>, vector<1x128xf32> -> vector<1x128xf32>
    %slice3A_189 = vector.extract_strided_slice %convert_element_type3A {offsets = [3584, 0], sizes = [128, 1], strides = [1, 1]} : vector<4096x1xf32> to vector<128x1xf32>
    %dot_general3A_190 = arith.constant dense<0.000000e+00> : vector<1x128xf32>
    %dot_general3A_191 = tpu.matmul %slice3A_189, %get3A_21, %dot_general3A_190 {dimension_numbers = #tpu.dot_dimension_numbers<[0], [0], [1], [1], [0, 1, 1, 1], [], []>, transpose_lhs_hint = false} : vector<128x1xf32>, vector<128x128xf32>, vector<1x128xf32> -> vector<1x128xf32>
    %slice3A_192 = vector.extract_strided_slice %convert_element_type3A {offsets = [3712, 0], sizes = [128, 1], strides = [1, 1]} : vector<4096x1xf32> to vector<128x1xf32>
    %dot_general3A_193 = arith.constant dense<0.000000e+00> : vector<1x128xf32>
    %dot_general3A_194 = tpu.matmul %slice3A_192, %get3A_21, %dot_general3A_193 {dimension_numbers = #tpu.dot_dimension_numbers<[0], [0], [1], [1], [0, 1, 1, 1], [], []>, transpose_lhs_hint = false} : vector<128x1xf32>, vector<128x128xf32>, vector<1x128xf32> -> vector<1x128xf32>
    %slice3A_195 = vector.extract_strided_slice %convert_element_type3A {offsets = [3840, 0], sizes = [128, 1], strides = [1, 1]} : vector<4096x1xf32> to vector<128x1xf32>
    %dot_general3A_196 = arith.constant dense<0.000000e+00> : vector<1x128xf32>
    %dot_general3A_197 = tpu.matmul %slice3A_195, %get3A_21, %dot_general3A_196 {dimension_numbers = #tpu.dot_dimension_numbers<[0], [0], [1], [1], [0, 1, 1, 1], [], []>, transpose_lhs_hint = false} : vector<128x1xf32>, vector<128x128xf32>, vector<1x128xf32> -> vector<1x128xf32>
    %slice3A_198 = vector.extract_strided_slice %convert_element_type3A {offsets = [3968, 0], sizes = [128, 1], strides = [1, 1]} : vector<4096x1xf32> to vector<128x1xf32>
    %dot_general3A_199 = arith.constant dense<0.000000e+00> : vector<1x128xf32>
    %dot_general3A_200 = tpu.matmul %slice3A_198, %get3A_21, %dot_general3A_199 {dimension_numbers = #tpu.dot_dimension_numbers<[0], [0], [1], [1], [0, 1, 1, 1], [], []>, transpose_lhs_hint = false} : vector<128x1xf32>, vector<128x128xf32>, vector<1x128xf32> -> vector<1x128xf32>
    %concatenate3A = tpu.concatenate %dot_general3A_107, %dot_general3A_110, %dot_general3A_113, %dot_general3A_116, %dot_general3A_119, %dot_general3A_122, %dot_general3A_125, %dot_general3A_128, %dot_general3A_131, %dot_general3A_134, %dot_general3A_137, %dot_general3A_140, %dot_general3A_143, %dot_general3A_146, %dot_general3A_149, %dot_general3A_152, %dot_general3A_155, %dot_general3A_158, %dot_general3A_161, %dot_general3A_164, %dot_general3A_167, %dot_general3A_170, %dot_general3A_173, %dot_general3A_176, %dot_general3A_179, %dot_general3A_182, %dot_general3A_185, %dot_general3A_188, %dot_general3A_191, %dot_general3A_194, %dot_general3A_197, %dot_general3A_200 in 1 : vector<1x128xf32>, vector<1x128xf32>, vector<1x128xf32>, vector<1x128xf32>, vector<1x128xf32>, vector<1x128xf32>, vector<1x128xf32>, vector<1x128xf32>, vector<1x128xf32>, vector<1x128xf32>, vector<1x128xf32>, vector<1x128xf32>, vector<1x128xf32>, vector<1x128xf32>, vector<1x128xf32>, vector<1x128xf32>, vector<1x128xf32>, vector<1x128xf32>, vector<1x128xf32>, vector<1x128xf32>, vector<1x128xf32>, vector<1x128xf32>, vector<1x128xf32>, vector<1x128xf32>, vector<1x128xf32>, vector<1x128xf32>, vector<1x128xf32>, vector<1x128xf32>, vector<1x128xf32>, vector<1x128xf32>, vector<1x128xf32>, vector<1x128xf32> -> vector<1x4096xf32>
    %convert_element_type3A_201 = arith.fptosi %concatenate3A : vector<1x4096xf32> to vector<1x4096xi32>
    %broadcast_in_dim3A_202 = vector.shape_cast %convert_element_type3A_201 : vector<1x4096xi32> to vector<1x4096xi32>
    %broadcast_in_dim3A_203 = vector.broadcast %broadcast_in_dim3A_202 : vector<1x4096xi32> to vector<8x4096xi32>
    %concatenate3A_204 = tpu.concatenate %max3A_47, %max3A_80 in 1 : vector<4096x64xf32>, vector<4096x64xf32> -> vector<4096x128xf32>
    %swap3A = arith.constant 0 : index
    %swap3A_205 = arith.constant 0 : index
    %swap3A_206 = arith.constant 0 : index
    %swap3A_207 = vector.load %arg8[%swap3A, %swap3A_205, %swap3A_206] : memref<1x4096x128xf32, #tpu.memory_space<vmem>>, vector<1x4096x128xf32>
    %swap3A_208 = vector.shape_cast %swap3A_207 : vector<1x4096x128xf32> to vector<4096x128xf32>
    %swap3A_209 = vector.shape_cast %concatenate3A_204 : vector<4096x128xf32> to vector<1x4096x128xf32>
    tpu.vector_store %arg8[%swap3A, %swap3A_205, %swap3A_206], %swap3A_209 {strides = array<i32>} : memref<1x4096x128xf32, #tpu.memory_space<vmem>>, vector<1x4096x128xf32>,
    %swap3A_210 = arith.constant 0 : index
    %swap3A_211 = arith.constant 0 : index
    %swap3A_212 = arith.constant 0 : index
    %swap3A_213 = vector.load %arg9[%swap3A_210, %swap3A_211, %swap3A_212] : memref<1x8x4096xi32, #tpu.memory_space<vmem>>, vector<1x8x4096xi32>
    %swap3A_214 = vector.shape_cast %swap3A_213 : vector<1x8x4096xi32> to vector<8x4096xi32>
    %swap3A_215 = vector.shape_cast %broadcast_in_dim3A_203 : vector<8x4096xi32> to vector<1x8x4096xi32>
    tpu.vector_store %arg9[%swap3A_210, %swap3A_211, %swap3A_212], %swap3A_215 {strides = array<i32>} : memref<1x8x4096xi32, #tpu.memory_space<vmem>>, vector<1x8x4096xi32>,
    %swap3A_216 = arith.constant 0 : index
    %swap3A_217 = arith.constant 0 : index
    %swap3A_218 = arith.constant 0 : index
    %swap3A_219 = vector.load %arg10[%swap3A_216, %swap3A_217, %swap3A_218] : memref<1x1x64xf32, #tpu.memory_space<vmem>>, vector<1x1x64xf32>
    %swap3A_220 = vector.shape_cast %swap3A_219 : vector<1x1x64xf32> to vector<1x64xf32>
    %swap3A_221 = vector.shape_cast %div3A_96 : vector<1x64xf32> to vector<1x1x64xf32>
    tpu.vector_store %arg10[%swap3A_216, %swap3A_217, %swap3A_218], %swap3A_221 {strides = array<i32>} : memref<1x1x64xf32, #tpu.memory_space<vmem>>, vector<1x1x64xf32>,
    return
  }
  func.func @transform_0(%arg0: i32) -> (i32, i32, i32) {
    %c0_i32 = arith.constant 0 : i32
    %c0_i32_0 = arith.constant 0 : i32
    %c0_i32_1 = arith.constant 0 : i32
    return %arg0, %c0_i32, %c0_i32_0 : i32, i32, i32
  }
  func.func @transform_1(%arg0: i32) -> (i32, i32) {
    %c0_i32 = arith.constant 0 : i32
    %c0_i32_0 = arith.constant 0 : i32
    %c0_i32_1 = arith.constant 0 : i32
    return %c0_i32, %c0_i32_0 : i32, i32
  }
  func.func @transform_2(%arg0: i32) -> (i32, i32) {
    %c0_i32 = arith.constant 0 : i32
    %c0_i32_0 = arith.constant 0 : i32
    %c0_i32_1 = arith.constant 0 : i32
    return %c0_i32, %c0_i32_0 : i32, i32
  }
  func.func @transform_3(%arg0: i32) -> (i32, i32) {
    %c0_i32 = arith.constant 0 : i32
    %c0_i32_0 = arith.constant 0 : i32
    %c0_i32_1 = arith.constant 0 : i32
    return %c0_i32, %c0_i32_0 : i32, i32
  }
  func.func @transform_4(%arg0: i32) -> (i32, i32) {
    %c0_i32 = arith.constant 0 : i32
    %c0_i32_0 = arith.constant 0 : i32
    %c0_i32_1 = arith.constant 0 : i32
    return %c0_i32, %c0_i32_0 : i32, i32
  }
  func.func @transform_5(%arg0: i32) -> (i32, i32) {
    %c0_i32 = arith.constant 0 : i32
    %c0_i32_0 = arith.constant 0 : i32
    %c0_i32_1 = arith.constant 0 : i32
    return %c0_i32, %c0_i32_0 : i32, i32
  }
  func.func @transform_6(%arg0: i32) -> (i32, i32) {
    %c0_i32 = arith.constant 0 : i32
    %c0_i32_0 = arith.constant 0 : i32
    %c0_i32_1 = arith.constant 0 : i32
    return %c0_i32, %c0_i32_0 : i32, i32
  }
  func.func @transform_7(%arg0: i32) -> (i32, i32, i32) {
    %c0_i32 = arith.constant 0 : i32
    %c0_i32_0 = arith.constant 0 : i32
    %c0_i32_1 = arith.constant 0 : i32
    return %arg0, %c0_i32, %c0_i32_0 : i32, i32, i32
  }
  func.func @transform_8(%arg0: i32) -> (i32, i32, i32) {
    %c0_i32 = arith.constant 0 : i32
    %c0_i32_0 = arith.constant 0 : i32
    %c0_i32_1 = arith.constant 0 : i32
    return %arg0, %c0_i32, %c0_i32_0 : i32, i32, i32
  }
  func.func @transform_9(%arg0: i32) -> (i32, i32, i32) {
    %c0_i32 = arith.constant 0 : i32
    %c0_i32_0 = arith.constant 0 : i32
    %c0_i32_1 = arith.constant 0 : i32
    return %arg0, %c0_i32, %c0_i32_0 : i32, i32, i32
  }
}

module attributes {stable_mosaic.version = 14 : i64} {
  func.func @_k2_body(%arg0: i32, %arg1: memref<1x4096x128xf32, #tpu.memory_space<vmem>>, %arg2: memref<1x1x64xf32, #tpu.memory_space<vmem>>, %arg3: memref<1x4096x128xf32, #tpu.memory_space<vmem>>) attributes {dimension_semantics = [#tpu.dimension_semantics<arbitrary>], iteration_bounds = array<i64: 32>, scalar_prefetch = 0 : i64, scratch_operands = 0 : i64, tpu.core_type = #tpu.core_type<tc>, window_params = [{transform_indices = @transform_0, window_bounds = array<i64: 1, 4096, 128>}, {transform_indices = @transform_1, window_bounds = array<i64: 1, 1, 64>}, {transform_indices = @transform_2, window_bounds = array<i64: 1, 4096, 128>}]} {
    %get3A = arith.constant 0 : index
    %get3A_0 = arith.constant 0 : index
    %get3A_1 = arith.constant 0 : index
    %get3A_2 = vector.load %arg1[%get3A, %get3A_0, %get3A_1] : memref<1x4096x128xf32, #tpu.memory_space<vmem>>, vector<1x4096x128xf32>
    %get3A_3 = vector.shape_cast %get3A_2 : vector<1x4096x128xf32> to vector<4096x128xf32>
    %get3A_4 = arith.constant 0 : index
    %get3A_5 = arith.constant 0 : index
    %get3A_6 = arith.constant 0 : index
    %get3A_7 = vector.load %arg2[%get3A_4, %get3A_5, %get3A_6] : memref<1x1x64xf32, #tpu.memory_space<vmem>>, vector<1x1x64xf32>
    %get3A_8 = vector.shape_cast %get3A_7 : vector<1x1x64xf32> to vector<1x64xf32>
    %broadcast_in_dim3A = arith.constant 0.000000e+00 : f32
    %broadcast_in_dim3A_9 = vector.broadcast %broadcast_in_dim3A : f32 to vector<1x64xf32>
    %concatenate3A = tpu.concatenate %get3A_8, %broadcast_in_dim3A_9 in 1 : vector<1x64xf32>, vector<1x64xf32> -> vector<1x128xf32>
    %mul3A = vector.broadcast %concatenate3A : vector<1x128xf32> to vector<4096x128xf32>
    %mul3A_10 = arith.mulf %get3A_3, %mul3A : vector<4096x128xf32>
    %roll3A = arith.constant 1 : i32
    %roll3A_11 = tpu.dynamic_rotate %get3A_3 by %roll3A dim 0 : vector<4096x128xf32>, i32 -> vector<4096x128xf32>
    %broadcast_in_dim3A_12 = arith.constant 1.000000e+00 : f32
    %broadcast_in_dim3A_13 = vector.broadcast %broadcast_in_dim3A_12 : f32 to vector<128x1xf32>
    %mul3A_14 = arith.mulf %get3A_3, %mul3A_10 : vector<4096x128xf32>
    %dot_general3A = arith.constant dense<0.000000e+00> : vector<4096x1xf32>
    %dot_general3A_15 = tpu.matmul %mul3A_14, %broadcast_in_dim3A_13, %dot_general3A {dimension_numbers = #tpu.dot_dimension_numbers<[1], [0], [0], [1], [0, 0, 1, 1], [], []>, transpose_lhs_hint = false} : vector<4096x128xf32>, vector<128x1xf32>, vector<4096x1xf32> -> vector<4096x1xf32>
    %mul3A_16 = arith.mulf %roll3A_11, %mul3A_10 : vector<4096x128xf32>
    %dot_general3A_17 = arith.constant dense<0.000000e+00> : vector<4096x1xf32>
    %dot_general3A_18 = tpu.matmul %mul3A_16, %broadcast_in_dim3A_13, %dot_general3A_17 {dimension_numbers = #tpu.dot_dimension_numbers<[1], [0], [0], [1], [0, 0, 1, 1], [], []>, transpose_lhs_hint = false} : vector<4096x128xf32>, vector<128x1xf32>, vector<4096x1xf32> -> vector<4096x1xf32>
    %roll3A_19 = arith.constant 4095 : i32
    %roll3A_20 = tpu.dynamic_rotate %dot_general3A_18 by %roll3A_19 dim 0 : vector<4096x1xf32>, i32 -> vector<4096x1xf32>
    %max3A = arith.maximumf %dot_general3A_15, %dot_general3A_18 : vector<4096x1xf32>
    %max3A_21 = arith.maximumf %max3A, %roll3A_20 : vector<4096x1xf32>
    %reduce_max3A = arith.constant dense<0xFF800000> : vector<1xf32>
    %reduce_max3A_22 = vector.multi_reduction <maximumf>, %max3A_21, %reduce_max3A [0] : vector<4096x1xf32> to vector<1xf32>
    %broadcast_in_dim3A_23 = vector.shape_cast %reduce_max3A_22 : vector<1xf32> to vector<1x1xf32>
    %log3A = arith.constant 3.000000e+00 : f32
    %log3A_24 = math.log %log3A : f32
    %add3A = vector.broadcast %log3A_24 : f32 to vector<1x1xf32>
    %add3A_25 = arith.addf %broadcast_in_dim3A_23, %add3A : vector<1x1xf32>
    %sub3A = vector.broadcast %add3A_25 : vector<1x1xf32> to vector<4096x1xf32>
    %sub3A_26 = arith.subf %dot_general3A_15, %sub3A : vector<4096x1xf32>
    %exp3A = math.exp %sub3A_26 : vector<4096x1xf32>
    %sub3A_27 = vector.broadcast %add3A_25 : vector<1x1xf32> to vector<4096x1xf32>
    %sub3A_28 = arith.subf %dot_general3A_18, %sub3A_27 : vector<4096x1xf32>
    %exp3A_29 = math.exp %sub3A_28 : vector<4096x1xf32>
    %sub3A_30 = vector.broadcast %add3A_25 : vector<1x1xf32> to vector<4096x1xf32>
    %sub3A_31 = arith.subf %roll3A_20, %sub3A_30 : vector<4096x1xf32>
    %exp3A_32 = math.exp %sub3A_31 : vector<4096x1xf32>
    %add3A_33 = arith.addf %exp3A, %exp3A_29 : vector<4096x1xf32>
    %add3A_34 = arith.addf %add3A_33, %exp3A_32 : vector<4096x1xf32>
    %reduce_sum3A = arith.constant dense<0.000000e+00> : vector<1xf32>
    %reduce_sum3A_35 = vector.multi_reduction <add>, %add3A_34, %reduce_sum3A [0] : vector<4096x1xf32> to vector<1xf32>
    %broadcast_in_dim3A_36 = vector.shape_cast %reduce_sum3A_35 : vector<1xf32> to vector<1x1xf32>
    %roll3A_37 = arith.constant 4095 : i32
    %roll3A_38 = tpu.dynamic_rotate %get3A_3 by %roll3A_37 dim 0 : vector<4096x128xf32>, i32 -> vector<4096x128xf32>
    %mul3A_39 = vector.broadcast %exp3A : vector<4096x1xf32> to vector<4096x128xf32>
    %mul3A_40 = arith.mulf %mul3A_39, %get3A_3 : vector<4096x128xf32>
    %mul3A_41 = vector.broadcast %exp3A_29 : vector<4096x1xf32> to vector<4096x128xf32>
    %mul3A_42 = arith.mulf %mul3A_41, %roll3A_11 : vector<4096x128xf32>
    %add3A_43 = arith.addf %mul3A_40, %mul3A_42 : vector<4096x128xf32>
    %mul3A_44 = vector.broadcast %exp3A_32 : vector<4096x1xf32> to vector<4096x128xf32>
    %mul3A_45 = arith.mulf %mul3A_44, %roll3A_38 : vector<4096x128xf32>
    %add3A_46 = arith.addf %add3A_43, %mul3A_45 : vector<4096x128xf32>
    %div3A = arith.constant 1.000000e+00 : f32
    %div3A_47 = vector.broadcast %div3A : f32 to vector<1x1xf32>
    %div3A_48 = arith.divf %div3A_47, %broadcast_in_dim3A_36 : vector<1x1xf32>
    %mul3A_49 = vector.broadcast %div3A_48 : vector<1x1xf32> to vector<4096x128xf32>
    %mul3A_50 = arith.mulf %add3A_46, %mul3A_49 : vector<4096x128xf32>
    %swap3A = arith.constant 0 : index
    %swap3A_51 = arith.constant 0 : index
    %swap3A_52 = arith.constant 0 : index
    %swap3A_53 = vector.load %arg3[%swap3A, %swap3A_51, %swap3A_52] : memref<1x4096x128xf32, #tpu.memory_space<vmem>>, vector<1x4096x128xf32>
    %swap3A_54 = vector.shape_cast %swap3A_53 : vector<1x4096x128xf32> to vector<4096x128xf32>
    %swap3A_55 = vector.shape_cast %mul3A_50 : vector<4096x128xf32> to vector<1x4096x128xf32>
    tpu.vector_store %arg3[%swap3A, %swap3A_51, %swap3A_52], %swap3A_55 {strides = array<i32>} : memref<1x4096x128xf32, #tpu.memory_space<vmem>>, vector<1x4096x128xf32>,
    return
  }
  func.func @transform_0(%arg0: i32) -> (i32, i32, i32) {
    %c0_i32 = arith.constant 0 : i32
    %c0_i32_0 = arith.constant 0 : i32
    %c0_i32_1 = arith.constant 0 : i32
    return %arg0, %c0_i32, %c0_i32_0 : i32, i32, i32
  }
  func.func @transform_1(%arg0: i32) -> (i32, i32, i32) {
    %c0_i32 = arith.constant 0 : i32
    %c0_i32_0 = arith.constant 0 : i32
    %c0_i32_1 = arith.constant 0 : i32
    return %arg0, %c0_i32, %c0_i32_0 : i32, i32, i32
  }
  func.func @transform_2(%arg0: i32) -> (i32, i32, i32) {
    %c0_i32 = arith.constant 0 : i32
    %c0_i32_0 = arith.constant 0 : i32
    %c0_i32_1 = arith.constant 0 : i32
    return %arg0, %c0_i32, %c0_i32_0 : i32, i32, i32
  }
}

</mosaic_0001>

<sc_bundles>
// kernel: kernel.6.cloned.1.call-start
scs
__scs_entry_jumppad:
0x0: {  	(pc) =	sbr.rel $0x88, $3  }
0x1: {  	(tag) =	ssettag $0x0;
	lr =	simm.s32 $0x1  }
0x2: {  	[smem:$0x3F96] =	sst lr;
	_ =	strace $0xD0000000  }
0x3: {  	_ = 	snop  }
0x4: {  	_ = 	snop  }
0x5: {  	_ = 	snop  }
0x6: {  	_ = 	snop  }
0x7: {  	_ = 	snop  }
__scs_overlays_trampoline_lowered:
0x8: {  	[smem:$0x3FA5] =	sst s0  }
0x9: {  	[smem:$0x3FA6] =	sst s1  }
0xa: {  	[smem:$0x3FA7] =	sst s2  }
0xb: {  	[smem:$0x3FA8] =	sst s3  }
0xc: {  	[smem:$0x3FA9] =	sst s4  }
0xd: {  	[smem:$0x3FAA] =	sst s5  }
0xe: {  	[smem:$0x3FAB] =	sst s6  }
0xf: {  	[smem:$0x3FAC] =	sst s7  }
0x10: {  	[smem:$0x3FAD] =	sst s8  }
0x11: {  	[smem:$0x3FAE] =	sst s9;
	s0 =	simm.s32 @!p0 $0x0  }
0x12: {  	s1 =	sld [smem:$0x3F94];
	s0 =	simm.s32 @p0 $0x1  }
0x13: {  	[smem:$0x3FAF] =	sst s0;
	s0 =	simm.s32 @!p1 $0x0  }
0x14: {  	s2 =	sld [smem:$0x3F93];
	s0 =	simm.s32 @p1 $0x1  }
0x15: {  	[smem:$0x3FB0] =	sst s0;
	s0 =	simm.s32 @!p2 $0x0  }
0x16: {  	s3 =	sld [smem:$0x3FDB];
	s0 =	simm.s32 @p2 $0x1  }
0x17: {  	s4 =	simm.s32 $0x1BF5;
	[smem:$0x3FB2] =	sst s0  }
0x18: {  	s0 =	sld [smem:$0x3F95];
	_ =	swait.ge [sflag:s4], $0x0  }
0x19: {  	s7 =	sld [smem:$0x3F96]  }
0x1a: {  	s8 =	sadd.s32 $0xFFFFE003, lr  }
0x1b: {  	s9 =	sadd.s32 $0xFFFFFEF7, lr;
	s5 =	simm.s32 $0xFFFFFFFF;
	p2 =	slt.u32 s8, $0xFFFFF086  }
0x1c: {  	p1 =	slt.u32 s9, $0xF7A;
	s5 =	simm.s32 @!p2 $0x0  }
0x1d: {  	s5 =	simm.s32 @p1 $0x1;
	p0 =	seq.s32 s7, s2  }
0x1e: {  	s7 =	smul.u32 @!p0 $0xF7A, s2;
	p2 =	seq.s32 @!p0 s5, $0x0  }
0x1f: {  	s9 =	smul.u32 $0xF7A, s1;
	s8 =	simm.s32 @!p0 $0x1BF5;
	p2 =	por !p2, p0  }
0x20: {  	[sflag:s8] =	ssyncset.s32 @!p0 $0xFFFFF086;
	s6 =	sadd.s32 @!p0 s3, s7;
	s7 =	simm.s32 @!p0 $0x108  }
0x21: {  	s3 =	sadd.s32 s3, s9;
	s6 =	sadd.s32 @!p0 $0x88, s6;
	s7 =	simm.s32 @p2 $0x1082  }
0x22: {  	[simem:s7], [sflag:s8] =	dma.local @!p0 [hbm:s6], $0xF7A  }
0x23: {  	s9 =	sor.u32 $0xD0000000, s2;
	s6 =	simm.s32 $0x108;
	_ =	swait.ge @!p0 [sflag:s8], $0x0  }
0x24: {  	s3 =	sadd.s32 $0x88, s3;
	s6 =	simm.s32 @!p1 $0x1082;
	[sflag:s4] =	ssyncset.s32 $0xFFFFF086  }
0x25: {  	[simem:s6], [sflag:s4] =	dma.local [hbm:s3], $0xF7A  }
0x26: {  	[smem:$0x3F96] =	sst s1;
	(tag) =	ssettag s2;
	_ =	strace s9  }
0x27: {  	s1 =	sld [smem:$0x3FA6]  }
0x28: {  	s2 =	sld [smem:$0x3FA7]  }
0x29: {  	s4 =	sld [smem:$0x3FA9]  }
0x2a: {  	p0 =	seq.s32 s5, $0x0;
	s5 =	sld [smem:$0x3FAA]  }
0x2b: {  	s6 =	sld [smem:$0x3FAB]  }
0x2c: {  	s7 =	sld [smem:$0x3FAC]  }
0x2d: {  	s3 =	simm.s32 $0x108;
	s8 =	sld [smem:$0x3FAD]  }
0x2e: {  	s3 =	simm.s32 @!p0 $0x1082;
	s9 =	sld [smem:$0x3FAE]  }
0x2f: {  	lr =	sadd.s32 s0, s3;
	s0 =	sld [smem:$0x3FA5]  }
0x30: {  	s3 =	sld [smem:$0x3FA8]  }
0x31: {  	[smem:$0x3FB1] =	sst s10  }
0x32: {  	s10 =	sld [smem:$0x3FAF];
	_ =	sdelay $0x3  }
0x33: {  	p0 =	seq.s32 s10, $0x1;
	s10 =	sld [smem:$0x3FB1];
	_ =	sdelay $0x3  }
0x34: {  	[smem:$0x3FB1] =	sst s10  }
0x35: {  	s10 =	sld [smem:$0x3FB0];
	_ =	sdelay $0x3  }
0x36: {  	p1 =	seq.s32 s10, $0x1;
	s10 =	sld [smem:$0x3FB1];
	_ =	sdelay $0x3  }
0x37: {  	[smem:$0x3FB1] =	sst s10  }
0x38: {  	s10 =	sld [smem:$0x3FB2]  }
0x39: {  	_ = 	snop;
	(pc) =	sbr.ind lr, $3  }
0x3a: {  	_ = 	snop  }
0x3b: {  	_ = 	snop  }
0x3c: {  	p2 =	seq.s32 s10, $0x1;
	s10 =	sld [smem:$0x3FB1]  }
0x3d: {  	_ =	shalt  }
0x3e: {  	_ =	shalt  }
0x3f: {  	_ =	shalt  }
0x40: {  	_ =	shalt  }
0x41: {  	_ =	shalt  }
0x42: {  	_ =	shalt  }
0x43: {  	_ =	shalt  }
0x44: {  	_ =	shalt  }
0x45: {  	_ =	shalt  }
0x46: {  	_ =	shalt  }
0x47: {  	_ =	shalt  }
0x48: {  	_ =	shalt  }
0x49: {  	_ =	shalt  }
0x4a: {  	_ =	shalt  }
0x4b: {  	_ =	shalt  }
0x4c: {  	_ =	shalt  }
0x4d: {  	_ =	shalt  }
0x4e: {  	_ =	shalt  }
0x4f: {  	_ =	shalt  }
0x50: {  	_ =	shalt  }
0x51: {  	_ =	shalt  }
0x52: {  	_ =	shalt  }
0x53: {  	_ =	shalt  }
0x54: {  	_ =	shalt  }
0x55: {  	_ =	shalt  }
0x56: {  	_ =	shalt  }
0x57: {  	_ =	shalt  }
0x58: {  	_ =	shalt  }
0x59: {  	_ =	shalt  }
0x5a: {  	_ =	shalt  }
0x5b: {  	_ =	shalt  }
0x5c: {  	_ =	shalt  }
0x5d: {  	_ =	shalt  }
0x5e: {  	_ =	shalt  }
0x5f: {  	_ =	shalt  }
0x60: {  	_ =	shalt  }
0x61: {  	_ =	shalt  }
0x62: {  	_ =	shalt  }
0x63: {  	_ =	shalt  }
0x64: {  	_ =	shalt  }
0x65: {  	_ =	shalt  }
0x66: {  	_ =	shalt  }
0x67: {  	_ =	shalt  }
0x68: {  	_ =	shalt  }
0x69: {  	_ =	shalt  }
0x6a: {  	_ =	shalt  }
0x6b: {  	_ =	shalt  }
0x6c: {  	_ =	shalt  }
0x6d: {  	_ =	shalt  }
0x6e: {  	_ =	shalt  }
0x6f: {  	_ =	shalt  }
0x70: {  	_ =	shalt  }
0x71: {  	_ =	shalt  }
0x72: {  	_ =	shalt  }
0x73: {  	_ =	shalt  }
0x74: {  	_ =	shalt  }
0x75: {  	_ =	shalt  }
0x76: {  	_ =	shalt  }
0x77: {  	_ =	shalt  }
0x78: {  	_ =	shalt  }
0x79: {  	_ =	shalt  }
0x7a: {  	_ =	shalt  }
0x7b: {  	_ =	shalt  }
0x7c: {  	_ =	shalt  }
0x7d: {  	_ =	shalt  }
0x7e: {  	_ =	shalt  }
0x7f: {  	_ =	shalt  }
0x80: {  	_ =	shalt  }
0x81: {  	_ =	shalt  }
0x82: {  	_ =	shalt  }
0x83: {  	_ =	shalt  }
0x84: {  	_ =	shalt  }
0x85: {  	_ =	shalt  }
0x86: {  	_ =	shalt  }
0x87: {  	_ =	shalt  }
.Lfunc_end0:
.L_simem_size_0:
called_computation.1_lowered:
.L_overlay_start_0:
0x88: {  	s2 =	sld [smem:$0x3FD9]  }
0x89: {  	s3 =	sld [smem:$0x3FFE];
	_ =	sdelay $0x1  }
0x8a: {  	s1 =	srdreg.scid  }
0x8b: {  	s0 =	sand.u32 $0x1, s1  }
0x8c: {  	s17 =	sshll.u32 s0, $0xA;
	s2 =	sadd.s32 s3, s2  }
0x8d: {  	s2 =	sadd.s32 s2, s17  }
0x8e: {  	[smem:$0x3FBD] =	sst s2  }
0x8f: {  	_ = 	snop  }
0x90: {  	s2 =	sld [smem:$0x3FD0];
	(tm) =	ssettm $0x1  }
0x91: {  	s18 =	sld [smem:$0x3FFB];
	_ =	sdelay $0x3  }
0x92: {  	_ =	strace s18  }
0x93: {  	s3 =	sld [smem:$0x3FFC];
	_ =	sdelay $0x3  }
0x94: {  	_ =	strace s3  }
0x95: {  	s3 =	sld [smem:$0x3FFD];
	_ =	sdelay $0x3  }
0x96: {  	_ =	strace s3  }
0x97: {  	_ =	strace $0x8FFFFFFF  }
0x98: {  	s19 =	sld [smem:$0x3FDB];
	_ =	sdelay $0x1  }
0x99: {  	s4 =	simm.s32 $_scs_section_size  }
0x9a: {  	s5 =	simm.s32 $_size__tile_overlayer_lowered;
	s6 =	simm.s32 $_tile_overlayer_lowered  }
0x9b: {  	s22 =	simm.s32 $0x1BFF;
	s21 =	sshll.u32 s6, $0x1;
	s3 =	sadd.s32 s4, s19  }
0x9c: {  	s7 =	simm.s32 $0x0;
	s20 =	sshll.u32 s5, $0x1;
	s5 =	sadd.s32 s21, s3  }
0x9d: {  	[timem:s7], [sflag:s22] =	dma.local [hbm:s5], s20  }
0x9e: {  	_ =	swait.ge [sflag:s22], s20  }
0x9f: {  	s4 =	ssub.s32 $0x0, s20;
	[sflag:s22] =	ssyncset.done $0x0  }
0xa0: {  	[sflag:s22] =	ssyncadd.s32 s4;
	_ =	sdelay $0x1  }
0xa1: {  	s23 =	simm.s32 $0x1B8B  }
0xa2: {  	_ =	swait.ge [sflag:s23], $0x1  }
0xa3: {  	[sflag:s23] =	ssyncset.done $0x0  }
0xa4: {  	s25 =	simm.s32 $0x1B8E;
	s24 =	sld [smem:$0x3FFE];
	[sflag:s23] =	ssyncadd.s32 $0xFFFFFFFF  }
0xa5: {  	s26 =	simm.s32 $execute0_lowered;
	[smem:$0x3FD2] =	sst s25  }
0xa6: {  	s5 =	sshll.u32 s26, $0x1;
	_ =	strace $0x80000046;
	[dreg:$0x1] =	wrdreg $0xFFFFFFFF  }
0xa7: {  	s28 =	simm.s32 $_size_execute0_lowered;
	s3 =	sadd.s32 s3, s5;
	[dreg:$0x0] =	wrdreg $0x0  }
0xa8: {  	s5 =	sshll.u32 s28, $0x1;
	[dreg:$0x2] =	wrdreg s3  }
0xa9: {  	[dreg:$0x3] =	wrdreg s5  }
0xaa: {  	[dreg:$0x4] =	wrdreg $0xC0  }
0xab: {  	_ =	task [dreg:s7], $0x5FFFF  }
0xac: {  	[dreg:$0x1] =	wrdreg $0xFFFFFFFF  }
0xad: {  	[dreg:$0x0] =	wrdreg $0x60  }
0xae: {  	[dreg:$0x2] =	wrdreg s2  }
0xaf: {  	[dreg:$0x3] =	wrdreg s24  }
0xb0: {  	[dreg:$0x4] =	wrdreg $0x9  }
0xb1: {  	_ =	task.clear_ibuf [dreg:s7], $0x5FFFF;
	_ =	strace $0x90000046  }
0xb2: {  	s29 =	simm.s32 $0x9;
	_ =	strace $0x80000048  }
0xb3: {  	_ =	swait.ge [sflag:s29], $0x1  }
0xb4: {  	[sflag:s29] =	ssyncadd.s32 $0xFFFFFFFF  }
0xb5: {  	_ =	strace $0x90000048  }
0xb6: {  	_ =	sfence  }
0xb7: {  	s30 =	sld [smem:$0x0];
	_ =	sdelay $0x2  }
0xb8: {  	s31 =	sshll.u32 s1, $0xD;
	s1 =	sshrl.u32 s1, $0x2  }
0xb9: {  	s3 =	sand.u32 $0x4000, s31;
	s1 =	sadd.s32 s1, s30  }
0xba: {  	s0 =	sor.u32 s3, s0;
	s1 =	sshll.u32 s1, $0x11  }
0xbb: {  	s0 =	sor.u32 s1, s0  }
0xbc: {  	s0 =	sadd.s32 $0x8F2B, s0  }
0xbd: {  	[sflag:s0] =	ssyncadd.remote.s32 $0x1  }
0xbe: {  	_ =	sfence.sel $0xFFFF  }
0xbf: {  	[dreg:$0x0] =	wrdreg $0xFFFFFFFF;
	(pc) =	sbr.abs _section_cstart, $3  }
0xc0: {  	[dreg:$0x1] =	wrdreg $0xFFFFFFFF  }
0xc1: {  	_ =	task.clear_ibuf [dreg:s7], $0x2FFFF;
	_ =	strace $0x9FFFFFFF  }
0xc2: {  	(tm) =	ssettm $0x7FFFFFFF  }
0xc3: {  	_ =	shalt  }
tec
execute0_lowered:
.L_overlay_start_1:
0x0: {  	(tag) =	ssettag $0x1  }
0x1: {  	s3 =	rddreg [dreg:$0x0];
	s1 =	srdreg.scid  }
0x2: {  	s0 =	stileid.u32;
	s4 =	rddreg [dreg:$0x1]  }
0x3: {  	s12 =	simm.s32 $0x1000;
	s13 =	simm.s32 $0x2000;
	s14 =	simm.s32 $0x3180  }
0x4: {  	s15 =	simm.s32 $0x1;
	s16 =	simm.s32 $0x0;
	s5 =	sand.u32 $0x1, s1  }
0x5: {  	s2 =	sshll.u32 s0, $0x1;
	s1 =	rddreg [dreg:$0x2];
	s10 =	sshll.u32 s0, $0x11  }
0x6: {  	s6 =	sor.u32 s5, s2;
	s2 =	simm.s32 $0x0;
	s9 =	ssub.s32 $0x2, s5  }
0x7: {  	s10 =	sadd.s32 s10, s4;
	s5 =	sshll.u32 s5, $0x10;
	s7 =	sshll.u32 s6, $0xC  }
0x8: {  	s8 =	sshll.u32 s6, $0x7;
	[smem:$0x7FF] =	sst s2;
	s6 =	sshll.u32 s6, $0x10  }
0x9: {  	s11 =	sshrl.u32 s9, $0x1;
	s31 =	sadd.s32 s5, s10;
	s10 =	simm.s32 $0x2  }
0xa: {  	s8 =	sor.u32 s8, s7;
	_ =	strace $0x80000047;
	s6 =	sadd.s32 s6, s4  }
0xb: {  	s9 =	ssub.s32 s9, s11;
	s3 =	sadd.s32 s3, s7;
	s8 =	sand.u32 $0x18380, s8  }
0xc: {  	s7 =	sadd.s32 $0x402800, s31;
	s11 =	simm.s32 $0x3000;
	s8 =	sshrl.u32 s8, $0x3  }
0xd: {  	v0 =	vimm.s32 $0x0;
	v1 =	vimm.s32 $0xFFFFFFFF;
	v2 =	vlaneseq.u32;
	s5 =	sadd.s32 $0x202800, s6;
	s6 =	smax.u32 s9, $0x1;
	s8 =	sadd.s32 s8, s4  }
0xe: {  	v3 =	vimm.s32 $0x1;
	v4 =	vor.u32 $0x80000000, v2;
	v5 =	vadd.s32 $0x1, v2;
	s9 =	simm.s32 $0x400;
	s4 =	sadd.s32 $0x602800, s8;
	s8 =	simm.s32 $0x80  }
.LBB2_1:
0xf: {  	[tilespmem:s2], [sflag:$0x2] =	stream.strided.gather [hbm4b:s3+s8], $0x1000, s9, s8, $0x38;
	[tilespmem:$0x7180] =	vst v63  }
0x10: {  	_ =	swait.ge [sflag:s10], $0x1000  }
0x11: {  	[sflag:s10] =	ssyncset.done $0x0  }
0x12: {  	[sflag:s10] =	ssyncadd.s32 $0xFFFFF000  }
0x13: {  	[tilespmem:$0x3000] =	vst v0  }
0x14: {  	[tilespmem:$0x3010] =	vst v0  }
0x15: {  	[tilespmem:$0x3020] =	vst v0  }
0x16: {  	[tilespmem:$0x3030] =	vst v0  }
0x17: {  	[tilespmem:$0x3040] =	vst v0  }
0x18: {  	[tilespmem:$0x3050] =	vst v0  }
0x19: {  	[tilespmem:$0x3060] =	vst v0  }
0x1a: {  	[tilespmem:$0x3070] =	vst v0  }
0x1b: {  	[tilespmem:$0x3080] =	vst v1  }
0x1c: {  	s17 =	simm.s32 $0x0;
	[tilespmem:$0x3110] =	vst v3  }
0x1d: {  	v6 =	vld [tilespmem:s17+$0x0];
	_ =	sdelay $0x4  }
0x1e: {  	v6 =	vshll.u32 v6, $0x4  }
0x1f: {  	v6 =	vxor.u32 v4, v6  }
0x20: {  	(xrf1) =	vsort.ascd.msk.u32 $0xffff, v6, v2;
	_ =	sdelay $0xd  }
0x21: {  	v6, _, _ =	vpop (xrf1)  }
0x22: {  	v6 =	vshrl.u32 v6, $0x4  }
0x23: {  	v7 =	vxor.u32 $0x8000000, v6  }
0x24: {  	[tilespmem:$0x3081] =	vst v7  }
0x25: {  	v8 =	vld [tilespmem:$0x3080];
	_ =	sdelay $0x4  }
0x26: {  	vm0 =	vne.s32 v7, v8  }
0x27: {  	v8 =	vnsel vm0, $0x80000000, v4  }
0x28: {  	(xrf0) =	vmax.scan.msk.u32 $0xffff, v8;
	v8 =	vsel vm0, $0x1, v0  }
0x29: {  	[tilespmem:$0x3100] =	vst v8  }
0x2a: {  	v8 =	vld [tilespmem:$0x3101];
	_ =	sdelay $0x4  }
0x2b: {  	v6 =	vand.u32 $0x7F, v6;
	v7 =	vand.u32 $0xFFFFF80, v7;
	vm0 =	vgt.s32 v8, $0x0  }
0x2c: {  	v6 =	vor.u32 v6, v7  }
0x2d: {  	v9, _, _ =	vpop (xrf0)  }
0x2e: {  	v9 =	vxor.u32 $0x80000000, v9  }
0x2f: {  	s18 =	simm.s32 $0x80;
	s17 =	simm.s32 $0x40;
	v7 =	vsub.s32 v5, v9  }
.LBB2_2:
0x30: {  	p0 =	sne.s32 s18, $0x3FC0  }
0x31: {  	s19 =	sshra.s32 s17, $0x2;
	[tilespmem:v6+s11+$0x0] =	vst.idx.add.s32.msk vm0, v7;
	s17 =	smov.u32 s18;
	s18 =	sadd.s32 $0x40, s18  }
0x32: {  	v6 =	vld [tilespmem:s19+$0x0];
	_ =	sdelay $0x4  }
0x33: {  	v6 =	vshll.u32 v6, $0x4  }
0x34: {  	v6 =	vxor.u32 v4, v6  }
0x35: {  	(xrf1) =	vsort.ascd.msk.u32 $0xffff, v6, v2;
	_ =	sdelay $0xd  }
0x36: {  	v6, _, _ =	vpop (xrf1)  }
0x37: {  	v6 =	vshrl.u32 v6, $0x4  }
0x38: {  	v7 =	vxor.u32 $0x8000000, v6  }
0x39: {  	[tilespmem:$0x3081] =	vst v7;
	v8 =	vand.u32 $0xFFFFF80, v7  }
0x3a: {  	v9 =	vld [tilespmem:$0x3080];
	_ =	sdelay $0x4  }
0x3b: {  	vm0 =	vne.s32 v7, v9  }
0x3c: {  	v7 =	vsel vm0, $0x1, v0;
	v9 =	vnsel vm0, $0x80000000, v4  }
0x3d: {  	[tilespmem:$0x3100] =	vst v7;
	(xrf0) =	vmax.scan.msk.u32 $0xffff, v9  }
0x3e: {  	v7 =	vld [tilespmem:$0x3101];
	_ =	sdelay $0x4  }
0x3f: {  	v6 =	vand.u32 $0x7F, v6;
	vm0 =	vgt.s32 v7, $0x0;
	v7, _, _ =	vpop (xrf0)  }
.Ltmp0:
0x40: {  	v6 =	vor.u32 v6, v8;
	v7 =	vxor.u32 $0x80000000, v7;
	(pc) =	sbr.rel @p0 .LBB2_2-.Ltmp0, $2  }
0x41: {  	_ =	sdelay $0x2  }
0x42: {  	v7 =	vsub.s32 v5, v7  }
0x43: {  	_ =	sdelay $0x4  }
0x44: {  	s17 =	sshra.s32 s17, $0x2;
	[tilespmem:v6+s11+$0x0] =	vst.idx.add.s32.msk vm0, v7  }
0x45: {  	v6 =	vld [tilespmem:s17+$0x0];
	_ =	sdelay $0x4  }
0x46: {  	v6 =	vshll.u32 v6, $0x4  }
0x47: {  	v6 =	vxor.u32 v4, v6  }
0x48: {  	(xrf1) =	vsort.ascd.msk.u32 $0xffff, v6, v2;
	_ =	sdelay $0xd  }
0x49: {  	v6, _, _ =	vpop (xrf1)  }
0x4a: {  	v6 =	vshrl.u32 v6, $0x4  }
0x4b: {  	v7 =	vxor.u32 $0x8000000, v6  }
0x4c: {  	[tilespmem:$0x3081] =	vst v7  }
0x4d: {  	v8 =	vld [tilespmem:$0x3080];
	_ =	sdelay $0x4  }
0x4e: {  	vm14 =	vne.s32 v7, v8  }
0x4f: {  	v8 =	vsel vm14, $0x1, v0  }
0x50: {  	[tilespmem:$0x3100] =	vst v8  }
0x51: {  	v8 =	vld [tilespmem:$0x3101]  }
0x52: {  	v9 =	vnsel vm14, $0x80000000, v4  }
0x53: {  	(xrf0) =	vmax.scan.msk.u32 $0xffff, v9;
	_ =	sdelay $0x2  }
0x54: {  	v6 =	vand.u32 $0x7F, v6;
	v7 =	vand.u32 $0xFFFFF80, v7;
	vm15 =	vgt.s32 v8, $0x0  }
0x55: {  	p1 =	por $0x1, $0x1;
	v6 =	vor.u32 v6, v7  }
.Ltmp1:
0x56: {  	_ = 	snop;
	(pc) =	sbr.rel @!p1 .LBB2_4-.Ltmp1, $4  }
0x57: {  	v7, _, _ =	vpop (xrf0)  }
0x58: {  	v7 =	vxor.u32 $0x80000000, v7  }
0x59: {  	v7 =	vsub.s32 v5, v7  }
0x5a: {  	s21 =	simm.s32 $0x0;
	p0 =	por $0x0, $0x0;
	s17 =	simm.s32 $0x0;
	[tilespmem:v6+s11+$0x0] =	vst.idx.add.s32.msk vm15, v7  }
0x5b: {  	v6 =	vld [tilespmem:s21+$0x3000];
	_ =	sdelay $0x4  }
0x5c: {  	(xrf0) =	vadd.scan.msk.s32 $0xffff, v6;
	_ =	sdelay $0x4  }
0x5d: {  	p1 =	por $0x1, $0x1  }
.Ltmp2:
0x5e: {  	v7, _, _ =	vpop (xrf0);
	(pc) =	sbr.rel @!p1 .LBB2_6-.Ltmp2, $4  }
0x5f: {  	(v2sf) =	vpush v7, $0xF  }
0x60: {  	v6 =	vsub.s32 s17, v6  }
0x61: {  	s19 =	simm.s32 $0x10;
	v6 =	vadd.s32 v7, v6  }
0x62: {  	s20 =	simm.s32 $0x80;
	p0 =	por $0x1, $0x1;
	s18 =	simm.s32 $0x0;
	[tilespmem:s21+$0x3000] =	vst v6  }
.LBB2_7:
0x63: {  	p1 =	sne.s32 s20, $0x1C0;
	v6 =	vld [tilespmem:s19+$0x3000];
	_ =	sdelay $0x4  }
0x64: {  	(xrf0) =	vadd.scan.msk.s32 $0xffff, v6;
	_ =	sdelay $0x5  }
.Ltmp3:
0x65: {  	v7, _, _ =	vpop (xrf0);
	s21 =	spop (v2sf);
	(pc) =	sbr.rel @p1 .LBB2_7-.Ltmp3, $4  }
0x66: {  	(v2sf) =	vpush v7, $0xF;
	s18 =	sadd.s32 s18, s21  }
0x67: {  	v6 =	vsub.s32 s18, v6  }
0x68: {  	v6 =	vadd.s32 v7, v6  }
0x69: {  	[tilespmem:s19+$0x3000] =	vst v6;
	s19 =	sshra.s32 s20, $0x2;
	s20 =	sadd.s32 $0x40, s20  }
0x6a: {  	s21 =	smov.u32 s19  }
.LBB2_9:
0x6b: {  	_ =	sdelay $0x1  }
0x6c: {  	v6 =	vld [tilespmem:s21+$0x3000];
	_ =	sdelay $0x4  }
0x6d: {  	(xrf0) =	vadd.scan.msk.s32 $0xffff, v6;
	_ =	sdelay $0x2  }
0x6e: {  	s19 =	spop @p0 (v2sf)  }
0x6f: {  	s18 =	sadd.s32 @p0 s18, s19;
	s19 =	simm.s32 $0x0  }
0x70: {  	s19 =	smov.u32 @p0 s18  }
0x71: {  	v7, _, _ =	vpop (xrf0);
	v6 =	vsub.s32 s19, v6  }
0x72: {  	v6 =	vadd.s32 v7, v6  }
0x73: {  	[tilespmem:s21+$0x3000] =	vst v6  }
0x74: {  	v6 =	vld [tilespmem:s17+$0x0];
	_ =	sdelay $0x4  }
0x75: {  	v6 =	vshll.u32 v6, $0x4  }
0x76: {  	v6 =	vxor.u32 v4, v6  }
0x77: {  	(xrf1) =	vsort.ascd.msk.u32 $0xffff, v6, v2;
	_ =	sdelay $0xd  }
0x78: {  	v6, v8, _ =	vpop (xrf1)  }
0x79: {  	v6 =	vshrl.u32 v6, $0x4  }
0x7a: {  	v9 =	vxor.u32 $0x8000000, v6  }
0x7b: {  	[tilespmem:$0x3081] =	vst v9  }
0x7c: {  	v10 =	vld [tilespmem:$0x3080];
	_ =	sdelay $0x3  }
0x7d: {  	v6 =	vand.u32 $0x7F, v6;
	v11 =	vand.u32 $0xFFFFF80, v9  }
0x7e: {  	v6 =	vor.u32 v6, v11;
	vm0 =	vne.s32 v9, v10  }
0x7f: {  	v9 =	vnsel vm0, $0x80000000, v4  }
0x80: {  	(v2sf) =	vpush v7, $0xF;
	(xrf0) =	vmax.scan.msk.u32 $0xffff, v9  }
0x81: {  	v7 =	vsel vm0, $0x1, v0  }
0x82: {  	[tilespmem:$0x3100] =	vst v7  }
0x83: {  	v7 =	vld.idx.msk [tilespmem:v6+s11+$0x0], $0xffff;
	_ =	sdelay $0x2  }
0x84: {  	v63 =	vld [tilespmem:$0x3101];
	v9, _, _ =	vpop (xrf0)  }
0x85: {  	v9 =	vxor.u32 $0x80000000, v9  }
0x86: {  	v7 =	vsub.s32 v7, v9  }
0x87: {  	v9 =	vadd.s32 v2, v7  }
0x88: {  	p0 =	por $0x1, $0x1;
	v8 =	vadd.s32 s17, v8  }
.Ltmp4:
0x89: {  	vm0 =	vgt.s32 v63, $0x0;
	(pc) =	sbr.rel @!p0 .LBB2_11-.Ltmp4, $3  }
0x8a: {  	_ =	sdelay $0x1  }
0x8b: {  	[tilespmem:v9+s12+$0x0] =	vst.idx.msk $0xffff, v8  }
0x8c: {  	s18 =	simm.s32 $0x10;
	s31 =	spop (v2sf);
	v7 =	vadd.s32 v5, v7;
	[tilespmem:v8+s13+$0x0] =	vst.idx.msk $0xffff, v9  }
.LBB2_10:
0x8d: {  	p0 =	sne.s32 s18, $0xFF0  }
0x8e: {  	[tilespmem:v6+s11+$0x0] =	vst.idx.msk vm0, v7;
	s17 =	sadd.s32 $0x10, s17;
	s19 =	smov.u32 s18;
	s18 =	sadd.s32 $0x10, s18  }
0x8f: {  	v6 =	vld [tilespmem:s17+$0x0];
	_ =	sdelay $0x4  }
0x90: {  	v6 =	vshll.u32 v6, $0x4  }
0x91: {  	v6 =	vxor.u32 v4, v6  }
0x92: {  	(xrf1) =	vsort.ascd.msk.u32 $0xffff, v6, v2;
	_ =	sdelay $0xd  }
0x93: {  	v6, v7, _ =	vpop (xrf1)  }
0x94: {  	v6 =	vshrl.u32 v6, $0x4  }
0x95: {  	v8 =	vxor.u32 $0x8000000, v6  }
0x96: {  	[tilespmem:$0x3081] =	vst v8;
	v9 =	vand.u32 $0xFFFFF80, v8  }
0x97: {  	v10 =	vld [tilespmem:$0x3080];
	_ =	sdelay $0x2  }
0x98: {  	v6 =	vand.u32 $0x7F, v6  }
0x99: {  	v6 =	vor.u32 v6, v9  }
0x9a: {  	vm0 =	vne.s32 v8, v10  }
0x9b: {  	v8 =	vsel vm0, $0x1, v0;
	v9 =	vnsel vm0, $0x80000000, v4  }
0x9c: {  	(xrf0) =	vmax.scan.msk.u32 $0xffff, v9  }
0x9d: {  	[tilespmem:$0x3100] =	vst v8  }
0x9e: {  	v8 =	vld.idx.msk [tilespmem:v6+s11+$0x0], $0xffff;
	_ =	sdelay $0x2  }
0x9f: {  	v9 =	vld [tilespmem:$0x3101]  }
0xa0: {  	v10, _, _ =	vpop (xrf0)  }
0xa1: {  	v10 =	vxor.u32 $0x80000000, v10  }
0xa2: {  	v8 =	vsub.s32 v8, v10  }
0xa3: {  	v10 =	vadd.s32 v2, v8  }
0xa4: {  	v7 =	vadd.s32 s19, v7;
	vm0 =	vgt.s32 v9, $0x0  }
.Ltmp5:
0xa5: {  	(pc) =	sbr.rel @p0 .LBB2_10-.Ltmp5, $3  }
0xa6: {  	_ =	sdelay $0x1  }
0xa7: {  	[tilespmem:v10+s12+$0x0] =	vst.idx.msk $0xffff, v7  }
0xa8: {  	[tilespmem:v7+s13+$0x0] =	vst.idx.msk $0xffff, v10;
	v7 =	vadd.s32 v5, v8  }
.LBB2_11:
0xa9: {  	_ =	sdelay $0x4  }
0xaa: {  	[tilespmem:v6+s11+$0x0] =	vst.idx.msk vm0, v7  }
0xab: {  	[hbm4b:s4+s8] =	stream.strided.scatter [tilespmem:s13], [sflag:$0x2], $0x1000, s9, s8, $0x38;
	[tilespmem:$0x7180] =	vst v63  }
0xac: {  	_ =	swait.ge [sflag:s10], $0x1000  }
0xad: {  	[sflag:s10] =	ssyncset.done $0x0  }
0xae: {  	s17 =	simm.s32 $0x1000;
	[sflag:s10] =	ssyncadd.s32 $0xFFFFF000  }
0xaf: {  	[tilespmem:s14], [sflag:$0x1] =	stream.indirect.gather [hbm4b:s5+s8], $0x80, s17, s8, $0xb8;
	[tilespmem:$0x7180] =	vst v63  }
0xb0: {  	_ =	swait.ge [sflag:s15], $0x4000  }
0xb1: {  	[sflag:s15] =	ssyncset.done $0x0  }
0xb2: {  	[sflag:s15] =	ssyncadd.s32 $0xFFFFC000  }
0xb3: {  	[hbm4b:s7+s2] =	stream.linear.scatter [tilespmem:s14], [sflag:$0x2], $0x4000, $0x38;
	[tilespmem:$0x7180] =	vst v63  }
0xb4: {  	s18 =	simm.s32 $0x400;
	_ =	swait.ge [sflag:s10], $0x4000  }
0xb5: {  	s19 =	simm.s32 $0x80;
	s17 =	sadd.s32 $0x800, s7;
	[sflag:s10] =	ssyncset.done $0x0  }
.LBB2_12:
0xb6: {  	s19 =	sadd.s32 $0x1000, s19  }
0xb7: {  	[sflag:s10] =	ssyncadd.s32 $0xFFFFC000;
	s20 =	smov.u32 s18;
	s21 =	sadd.s32 $0x200, s18  }
0xb8: {  	[tilespmem:s14], [sflag:$0x1] =	stream.indirect.gather [hbm4b:s5+s8], $0x80, s19, s8, $0xb8;
	[tilespmem:$0x7180] =	vst v63  }
0xb9: {  	p0 =	sne.s32 s18, $0x3E00;
	_ =	swait.ge [sflag:s15], $0x4000  }
.Ltmp6:
0xba: {  	[sflag:s15] =	ssyncset.done $0x0;
	(pc) =	sbr.rel @p0 .LBB2_12-.Ltmp6, $4  }
0xbb: {  	[sflag:s15] =	ssyncadd.s32 $0xFFFFC000  }
0xbc: {  	[hbm4b:s17+s2] =	stream.linear.scatter [tilespmem:s14], [sflag:$0x2], $0x4000, $0x38;
	[tilespmem:$0x7180] =	vst v63  }
0xbd: {  	s19 =	sshra.s32 s20, $0x2;
	_ =	swait.ge [sflag:s10], $0x4000  }
0xbe: {  	s18 =	smov.u32 s21;
	s17 =	sadd.s32 $0x800, s17;
	[sflag:s10] =	ssyncset.done $0x0  }
0xbf: {  	s18 =	sadd.s32 $0x1000, s19;
	[sflag:s10] =	ssyncadd.s32 $0xFFFFC000  }
0xc0: {  	[tilespmem:s14], [sflag:$0x1] =	stream.indirect.gather [hbm4b:s5+s8], $0x80, s18, s8, $0xb8;
	[tilespmem:$0x7180] =	vst v63  }
0xc1: {  	_ =	swait.ge [sflag:s15], $0x4000  }
0xc2: {  	s16 =	sadd.s32 $0x1, s16;
	[sflag:s15] =	ssyncset.done $0x0  }
0xc3: {  	p0 =	sne.s32 s16, s6;
	[sflag:s15] =	ssyncadd.s32 $0xFFFFC000  }
0xc4: {  	[hbm4b:s17+s2] =	stream.linear.scatter [tilespmem:s14], [sflag:$0x2], $0x4000, $0x38;
	[tilespmem:$0x7180] =	vst v63  }
.Ltmp7:
0xc5: {  	_ = 	snop;
	(pc) =	sbr.rel @p0 .LBB2_1-.Ltmp7, $4  }
.Ltmp8:
0xc6: {  	_ = 	snop;
	(pc) =	sbr.rel @!p0 .LBB2_14-.Ltmp8, $4  }
0xc7: {  	_ =	swait.ge [sflag:s10], $0x4000  }
0xc8: {  	[sflag:s10] =	ssyncset.done $0x0  }
0xc9: {  	[sflag:s10] =	ssyncadd.s32 $0xFFFFC000  }
0xca: {  	_ = 	snop  }
.LBB2_4:
.Ltmp9:
0xcb: {  	(pc) =	sbr.rel .LBB2_9-.Ltmp9, $2  }
0xcc: {  	_ =	sdelay $0x2  }
0xcd: {  	s18 =	simm.s32 $0x0  }
.LBB2_6:
.Ltmp10:
0xce: {  	(pc) =	sbr.rel .LBB2_9-.Ltmp10, $2  }
0xcf: {  	_ =	sdelay $0x2  }
0xd0: {  	s21 =	simm.s32 $0x10;
	s18 =	simm.s32 $0x0  }
.LBB2_14:
0xd1: {  	_ =	sfence.sel $0x180000  }
0xd2: {  	[bflag:$0x0] =	sbarrier.arrive $0xFFFF  }
0xd3: {  	p0 =	sne.s32 s0, $0x0;
	_ =	strace $0x90000047  }
0xd4: {  	s0 =	sadd.s32 @!p0 $0x100000, s1;
	[bflag:$0x2] =	sbarrier.arrive $0xFFFF  }
0xd5: {  	[sflag:s0] =	ssyncadd.tile.s32 @!p0 $0x1;
	_ =	shalt  }
.Lfunc_end2:
_tile_overlayer_lowered:
.L_overlay_start_2:
0xd6: {  	(tag) =	ssettag $0x2  }
0xd7: {  	s0 =	rddreg [dreg:$0x0];
	s2 =	stileid.u32  }
0xd8: {  	s1 =	rddreg [dreg:$0x1];
	p0 =	sne.s32 s2, $0x0  }
0xd9: {  	s3 =	rddreg [dreg:$0x2];
	[bflag:$0x3] =	sbarrier.arrive $0xFFFF;
	s2 =	simm.s32 @!p0 $0x1C02  }
0xda: {  	[timem:s3], [sflag:s2] =	dma.local @!p0 [hbm:s0], s1  }
0xdb: {  	s0 =	simm.s32 @!p0 $0x2  }
0xdc: {  	_ =	swait.ge @!p0 [sflag:s0], s1  }
0xdd: {  	s1 =	ssub.s32 @!p0 $0x0, s1;
	[sflag:s0] =	ssyncset.done @!p0 $0x0  }
0xde: {  	[sflag:s0] =	ssyncadd.s32 @!p0 s1  }
0xdf: {  	[bflag:$0x3] =	sbarrier.arrive $0xFFFF  }
0xe0: {  	_ =	shalt  }

// kernel: kernel.9.cloned.1.call-start
scs
__scs_entry_jumppad:
0x0: {  	(pc) =	sbr.rel $0x88, $3  }
0x1: {  	(tag) =	ssettag $0x0;
	lr =	simm.s32 $0x1  }
0x2: {  	[smem:$0x3F96] =	sst lr;
	_ =	strace $0xD0000000  }
0x3: {  	_ = 	snop  }
0x4: {  	_ = 	snop  }
0x5: {  	_ = 	snop  }
0x6: {  	_ = 	snop  }
0x7: {  	_ = 	snop  }
__scs_overlays_trampoline_lowered:
0x8: {  	[smem:$0x3FA5] =	sst s0  }
0x9: {  	[smem:$0x3FA6] =	sst s1  }
0xa: {  	[smem:$0x3FA7] =	sst s2  }
0xb: {  	[smem:$0x3FA8] =	sst s3  }
0xc: {  	[smem:$0x3FA9] =	sst s4  }
0xd: {  	[smem:$0x3FAA] =	sst s5  }
0xe: {  	[smem:$0x3FAB] =	sst s6  }
0xf: {  	[smem:$0x3FAC] =	sst s7  }
0x10: {  	[smem:$0x3FAD] =	sst s8  }
0x11: {  	[smem:$0x3FAE] =	sst s9;
	s0 =	simm.s32 @!p0 $0x0  }
0x12: {  	s1 =	sld [smem:$0x3F94];
	s0 =	simm.s32 @p0 $0x1  }
0x13: {  	[smem:$0x3FAF] =	sst s0;
	s0 =	simm.s32 @!p1 $0x0  }
0x14: {  	s2 =	sld [smem:$0x3F93];
	s0 =	simm.s32 @p1 $0x1  }
0x15: {  	[smem:$0x3FB0] =	sst s0;
	s0 =	simm.s32 @!p2 $0x0  }
0x16: {  	s3 =	sld [smem:$0x3FDB];
	s0 =	simm.s32 @p2 $0x1  }
0x17: {  	s4 =	simm.s32 $0x1BF5;
	[smem:$0x3FB2] =	sst s0  }
0x18: {  	s0 =	sld [smem:$0x3F95];
	_ =	swait.ge [sflag:s4], $0x0  }
0x19: {  	s7 =	sld [smem:$0x3F96]  }
0x1a: {  	s8 =	sadd.s32 $0xFFFFE003, lr  }
0x1b: {  	s9 =	sadd.s32 $0xFFFFFEF7, lr;
	s5 =	simm.s32 $0xFFFFFFFF;
	p2 =	slt.u32 s8, $0xFFFFF086  }
0x1c: {  	p1 =	slt.u32 s9, $0xF7A;
	s5 =	simm.s32 @!p2 $0x0  }
0x1d: {  	s5 =	simm.s32 @p1 $0x1;
	p0 =	seq.s32 s7, s2  }
0x1e: {  	s7 =	smul.u32 @!p0 $0xF7A, s2;
	p2 =	seq.s32 @!p0 s5, $0x0  }
0x1f: {  	s9 =	smul.u32 $0xF7A, s1;
	s8 =	simm.s32 @!p0 $0x1BF5;
	p2 =	por !p2, p0  }
0x20: {  	[sflag:s8] =	ssyncset.s32 @!p0 $0xFFFFF086;
	s6 =	sadd.s32 @!p0 s3, s7;
	s7 =	simm.s32 @!p0 $0x108  }
0x21: {  	s3 =	sadd.s32 s3, s9;
	s6 =	sadd.s32 @!p0 $0x88, s6;
	s7 =	simm.s32 @p2 $0x1082  }
0x22: {  	[simem:s7], [sflag:s8] =	dma.local @!p0 [hbm:s6], $0xF7A  }
0x23: {  	s9 =	sor.u32 $0xD0000000, s2;
	s6 =	simm.s32 $0x108;
	_ =	swait.ge @!p0 [sflag:s8], $0x0  }
0x24: {  	s3 =	sadd.s32 $0x88, s3;
	s6 =	simm.s32 @!p1 $0x1082;
	[sflag:s4] =	ssyncset.s32 $0xFFFFF086  }
0x25: {  	[simem:s6], [sflag:s4] =	dma.local [hbm:s3], $0xF7A  }
0x26: {  	[smem:$0x3F96] =	sst s1;
	(tag) =	ssettag s2;
	_ =	strace s9  }
0x27: {  	s1 =	sld [smem:$0x3FA6]  }
0x28: {  	s2 =	sld [smem:$0x3FA7]  }
0x29: {  	s4 =	sld [smem:$0x3FA9]  }
0x2a: {  	p0 =	seq.s32 s5, $0x0;
	s5 =	sld [smem:$0x3FAA]  }
0x2b: {  	s6 =	sld [smem:$0x3FAB]  }
0x2c: {  	s7 =	sld [smem:$0x3FAC]  }
0x2d: {  	s3 =	simm.s32 $0x108;
	s8 =	sld [smem:$0x3FAD]  }
0x2e: {  	s3 =	simm.s32 @!p0 $0x1082;
	s9 =	sld [smem:$0x3FAE]  }
0x2f: {  	lr =	sadd.s32 s0, s3;
	s0 =	sld [smem:$0x3FA5]  }
0x30: {  	s3 =	sld [smem:$0x3FA8]  }
0x31: {  	[smem:$0x3FB1] =	sst s10  }
0x32: {  	s10 =	sld [smem:$0x3FAF];
	_ =	sdelay $0x3  }
0x33: {  	p0 =	seq.s32 s10, $0x1;
	s10 =	sld [smem:$0x3FB1];
	_ =	sdelay $0x3  }
0x34: {  	[smem:$0x3FB1] =	sst s10  }
0x35: {  	s10 =	sld [smem:$0x3FB0];
	_ =	sdelay $0x3  }
0x36: {  	p1 =	seq.s32 s10, $0x1;
	s10 =	sld [smem:$0x3FB1];
	_ =	sdelay $0x3  }
0x37: {  	[smem:$0x3FB1] =	sst s10  }
0x38: {  	s10 =	sld [smem:$0x3FB2]  }
0x39: {  	_ = 	snop;
	(pc) =	sbr.ind lr, $3  }
0x3a: {  	_ = 	snop  }
0x3b: {  	_ = 	snop  }
0x3c: {  	p2 =	seq.s32 s10, $0x1;
	s10 =	sld [smem:$0x3FB1]  }
0x3d: {  	_ =	shalt  }
0x3e: {  	_ =	shalt  }
0x3f: {  	_ =	shalt  }
0x40: {  	_ =	shalt  }
0x41: {  	_ =	shalt  }
0x42: {  	_ =	shalt  }
0x43: {  	_ =	shalt  }
0x44: {  	_ =	shalt  }
0x45: {  	_ =	shalt  }
0x46: {  	_ =	shalt  }
0x47: {  	_ =	shalt  }
0x48: {  	_ =	shalt  }
0x49: {  	_ =	shalt  }
0x4a: {  	_ =	shalt  }
0x4b: {  	_ =	shalt  }
0x4c: {  	_ =	shalt  }
0x4d: {  	_ =	shalt  }
0x4e: {  	_ =	shalt  }
0x4f: {  	_ =	shalt  }
0x50: {  	_ =	shalt  }
0x51: {  	_ =	shalt  }
0x52: {  	_ =	shalt  }
0x53: {  	_ =	shalt  }
0x54: {  	_ =	shalt  }
0x55: {  	_ =	shalt  }
0x56: {  	_ =	shalt  }
0x57: {  	_ =	shalt  }
0x58: {  	_ =	shalt  }
0x59: {  	_ =	shalt  }
0x5a: {  	_ =	shalt  }
0x5b: {  	_ =	shalt  }
0x5c: {  	_ =	shalt  }
0x5d: {  	_ =	shalt  }
0x5e: {  	_ =	shalt  }
0x5f: {  	_ =	shalt  }
0x60: {  	_ =	shalt  }
0x61: {  	_ =	shalt  }
0x62: {  	_ =	shalt  }
0x63: {  	_ =	shalt  }
0x64: {  	_ =	shalt  }
0x65: {  	_ =	shalt  }
0x66: {  	_ =	shalt  }
0x67: {  	_ =	shalt  }
0x68: {  	_ =	shalt  }
0x69: {  	_ =	shalt  }
0x6a: {  	_ =	shalt  }
0x6b: {  	_ =	shalt  }
0x6c: {  	_ =	shalt  }
0x6d: {  	_ =	shalt  }
0x6e: {  	_ =	shalt  }
0x6f: {  	_ =	shalt  }
0x70: {  	_ =	shalt  }
0x71: {  	_ =	shalt  }
0x72: {  	_ =	shalt  }
0x73: {  	_ =	shalt  }
0x74: {  	_ =	shalt  }
0x75: {  	_ =	shalt  }
0x76: {  	_ =	shalt  }
0x77: {  	_ =	shalt  }
0x78: {  	_ =	shalt  }
0x79: {  	_ =	shalt  }
0x7a: {  	_ =	shalt  }
0x7b: {  	_ =	shalt  }
0x7c: {  	_ =	shalt  }
0x7d: {  	_ =	shalt  }
0x7e: {  	_ =	shalt  }
0x7f: {  	_ =	shalt  }
0x80: {  	_ =	shalt  }
0x81: {  	_ =	shalt  }
0x82: {  	_ =	shalt  }
0x83: {  	_ =	shalt  }
0x84: {  	_ =	shalt  }
0x85: {  	_ =	shalt  }
0x86: {  	_ =	shalt  }
0x87: {  	_ =	shalt  }
.Lfunc_end0:
.L_simem_size_0:
called_computation.2_lowered:
.L_overlay_start_0:
0x88: {  	s2 =	sld [smem:$0x3FD9]  }
0x89: {  	s3 =	sld [smem:$0x3FFE];
	_ =	sdelay $0x1  }
0x8a: {  	s1 =	srdreg.scid  }
0x8b: {  	s0 =	sand.u32 $0x1, s1  }
0x8c: {  	s16 =	sshll.u32 s0, $0xA;
	s2 =	sadd.s32 s3, s2  }
0x8d: {  	s2 =	sadd.s32 s2, s16  }
0x8e: {  	[smem:$0x3FBD] =	sst s2  }
0x8f: {  	_ = 	snop  }
0x90: {  	(tm) =	ssettm $0x1  }
0x91: {  	s17 =	sld [smem:$0x3FFB];
	_ =	sdelay $0x3  }
0x92: {  	_ =	strace s17  }
0x93: {  	s2 =	sld [smem:$0x3FFC];
	_ =	sdelay $0x3  }
0x94: {  	_ =	strace s2  }
0x95: {  	s2 =	sld [smem:$0x3FFD];
	_ =	sdelay $0x3  }
0x96: {  	_ =	strace s2  }
0x97: {  	_ =	strace $0x8FFFFFFF  }
0x98: {  	s18 =	sld [smem:$0x3FDB];
	_ =	sdelay $0x1  }
0x99: {  	s19 =	simm.s32 $_scs_section_size  }
0x9a: {  	s4 =	simm.s32 $_size__tile_overlayer_lowered;
	s5 =	simm.s32 $_tile_overlayer_lowered  }
0x9b: {  	s22 =	simm.s32 $0x1BFF;
	s21 =	sshll.u32 s5, $0x1;
	s2 =	sadd.s32 s19, s18  }
0x9c: {  	s6 =	simm.s32 $0x0;
	s20 =	sshll.u32 s4, $0x1;
	s4 =	sadd.s32 s21, s2  }
0x9d: {  	[timem:s6], [sflag:s22] =	dma.local [hbm:s4], s20  }
0x9e: {  	_ =	swait.ge [sflag:s22], s20  }
0x9f: {  	s3 =	ssub.s32 $0x0, s20;
	[sflag:s22] =	ssyncset.done $0x0  }
0xa0: {  	[sflag:s22] =	ssyncadd.s32 s3;
	_ =	sdelay $0x1  }
0xa1: {  	s23 =	simm.s32 $0x1B8B  }
0xa2: {  	_ =	swait.ge [sflag:s23], $0x1  }
0xa3: {  	[sflag:s23] =	ssyncset.done $0x0  }
0xa4: {  	s25 =	simm.s32 $0x1B8E;
	s24 =	sld [smem:$0x3FFE];
	[sflag:s23] =	ssyncadd.s32 $0xFFFFFFFF  }
0xa5: {  	s26 =	simm.s32 $execute0_lowered;
	[smem:$0x3FD2] =	sst s25  }
0xa6: {  	s4 =	sshll.u32 s26, $0x1;
	_ =	strace $0x80000049;
	[dreg:$0x1] =	wrdreg $0xFFFFFFFF  }
0xa7: {  	s28 =	simm.s32 $_size_execute0_lowered;
	s2 =	sadd.s32 s2, s4;
	[dreg:$0x0] =	wrdreg $0x0  }
0xa8: {  	s4 =	sshll.u32 s28, $0x1;
	[dreg:$0x2] =	wrdreg s2  }
0xa9: {  	[dreg:$0x3] =	wrdreg s4  }
0xaa: {  	[dreg:$0x4] =	wrdreg $0xC0  }
0xab: {  	_ =	task [dreg:s6], $0x5FFFF  }
0xac: {  	[dreg:$0x1] =	wrdreg $0xFFFFFFFF  }
0xad: {  	[dreg:$0x0] =	wrdreg $0x60  }
0xae: {  	[dreg:$0x2] =	wrdreg s24  }
0xaf: {  	[dreg:$0x3] =	wrdreg $0x9  }
0xb0: {  	_ =	task.clear_ibuf [dreg:s6], $0x4FFFF;
	_ =	strace $0x90000049  }
0xb1: {  	s29 =	simm.s32 $0x9;
	_ =	strace $0x8000004B  }
0xb2: {  	_ =	swait.ge [sflag:s29], $0x1  }
0xb3: {  	[sflag:s29] =	ssyncadd.s32 $0xFFFFFFFF  }
0xb4: {  	_ =	strace $0x9000004B  }
0xb5: {  	_ =	sfence  }
0xb6: {  	s30 =	sld [smem:$0x0];
	_ =	sdelay $0x2  }
0xb7: {  	s31 =	sshll.u32 s1, $0xD;
	s1 =	sshrl.u32 s1, $0x2  }
0xb8: {  	s3 =	sand.u32 $0x4000, s31;
	s1 =	sadd.s32 s1, s30  }
0xb9: {  	s0 =	sor.u32 s3, s0;
	s1 =	sshll.u32 s1, $0x11  }
0xba: {  	s0 =	sor.u32 s1, s0  }
0xbb: {  	s0 =	sadd.s32 $0x8F2B, s0  }
0xbc: {  	[sflag:s0] =	ssyncadd.remote.s32 $0x1  }
0xbd: {  	_ =	sfence.sel $0xFFFF  }
0xbe: {  	[dreg:$0x0] =	wrdreg $0xFFFFFFFF;
	(pc) =	sbr.abs _section_cstart, $3  }
0xbf: {  	[dreg:$0x1] =	wrdreg $0xFFFFFFFF  }
0xc0: {  	_ =	task.clear_ibuf [dreg:s6], $0x2FFFF;
	_ =	strace $0x9FFFFFFF  }
0xc1: {  	(tm) =	ssettm $0x7FFFFFFF  }
tec
execute0_lowered:
.L_overlay_start_1:
0x0: {  	(tag) =	ssettag $0x1  }
0x1: {  	s3 =	rddreg [dreg:$0x0]  }
0x2: {  	s0 =	rddreg [dreg:$0x1]  }
0x3: {  	s2 =	simm.s32 $0x0;
	s1 =	stileid.u32;
	s4 =	srdreg.scid  }
0x4: {  	s10 =	simm.s32 $0x1000;
	s11 =	simm.s32 $0x1;
	s12 =	simm.s32 $0x0  }
0x5: {  	s5 =	sshll.u32 s1, $0xA;
	s4 =	sand.u32 $0x1, s4;
	s6 =	sshll.u32 s1, $0x1  }
0x6: {  	[smem:$0x7FF] =	sst s2;
	s8 =	sshll.u32 s1, $0x11;
	s5 =	sand.u32 $0x3000, s5  }
0x7: {  	s6 =	sor.u32 s4, s6;
	_ =	strace $0x8000004A;
	s8 =	sadd.s32 s8, s3  }
0x8: {  	s30 =	ssub.s32 $0x2, s4;
	s4 =	sshll.u32 s4, $0x10;
	s5 =	sadd.s32 s5, s3  }
0x9: {  	s7 =	sshll.u32 s6, $0x10;
	s6 =	sshll.u32 s6, $0x4;
	s9 =	sshrl.u32 s30, $0x1  }
0xa: {  	s8 =	sadd.s32 s4, s8;
	s7 =	sadd.s32 s7, s3;
	s6 =	sand.u32 $0x70, s6  }
0xb: {  	s31 =	ssub.s32 s30, s9;
	s9 =	simm.s32 $0x2;
	s5 =	sadd.s32 s6, s5  }
0xc: {  	s4 =	sadd.s32 $0x202800, s7;
	s6 =	sadd.s32 $0x402800, s8;
	s7 =	simm.s32 $0x80  }
0xd: {  	s8 =	simm.s32 $0x400;
	s3 =	sadd.s32 $0x602800, s5;
	s5 =	smax.u32 s31, $0x1  }
.LBB2_1:
0xe: {  	[tilespmem:s2], [sflag:$0x2] =	stream.strided.gather [hbm4b:s3+s7], $0x1000, s8, s7, $0x38;
	[tilespmem:$0x5000] =	vst v63  }
0xf: {  	_ =	swait.ge [sflag:s9], $0x1000  }
0x10: {  	[sflag:s9] =	ssyncset.done $0x0  }
0x11: {  	s13 =	simm.s32 $0x0;
	[sflag:s9] =	ssyncadd.s32 $0xFFFFF000  }
0x12: {  	[tilespmem:s10], [sflag:$0x1] =	stream.indirect.gather [hbm4b:s4+s7], $0x80, s13, s7, $0xb8;
	[tilespmem:$0x5000] =	vst v63  }
0x13: {  	_ =	swait.ge [sflag:s11], $0x4000  }
0x14: {  	[sflag:s11] =	ssyncset.done $0x0  }
0x15: {  	[sflag:s11] =	ssyncadd.s32 $0xFFFFC000  }
0x16: {  	[hbm4b:s6+s2] =	stream.linear.scatter [tilespmem:s10], [sflag:$0x2], $0x4000, $0x38;
	[tilespmem:$0x5000] =	vst v63  }
0x17: {  	s14 =	simm.s32 $0x200;
	_ =	swait.ge [sflag:s9], $0x4000  }
0x18: {  	s15 =	simm.s32 $0x400;
	s13 =	sadd.s32 $0x800, s6;
	[sflag:s9] =	ssyncset.done $0x0  }
.LBB2_2:
0x19: {  	s16 =	sshra.s32 s14, $0x2  }
0x1a: {  	[sflag:s9] =	ssyncadd.s32 $0xFFFFC000;
	s14 =	smov.u32 s15;
	s17 =	sadd.s32 $0x200, s15  }
0x1b: {  	[tilespmem:s10], [sflag:$0x1] =	stream.indirect.gather [hbm4b:s4+s7], $0x80, s16, s7, $0xb8;
	[tilespmem:$0x5000] =	vst v63  }
0x1c: {  	p0 =	sne.s32 s15, $0x3E00;
	_ =	swait.ge [sflag:s11], $0x4000  }
.Ltmp0:
0x1d: {  	[sflag:s11] =	ssyncset.done $0x0;
	(pc) =	sbr.rel @p0 .LBB2_2-.Ltmp0, $4  }
0x1e: {  	[sflag:s11] =	ssyncadd.s32 $0xFFFFC000  }
0x1f: {  	[hbm4b:s13+s2] =	stream.linear.scatter [tilespmem:s10], [sflag:$0x2], $0x4000, $0x38;
	[tilespmem:$0x5000] =	vst v63  }
0x20: {  	_ =	swait.ge [sflag:s9], $0x4000  }
0x21: {  	s15 =	smov.u32 s17;
	s13 =	sadd.s32 $0x800, s13;
	[sflag:s9] =	ssyncset.done $0x0  }
0x22: {  	s14 =	sshra.s32 s14, $0x2;
	[sflag:s9] =	ssyncadd.s32 $0xFFFFC000  }
0x23: {  	[tilespmem:s10], [sflag:$0x1] =	stream.indirect.gather [hbm4b:s4+s7], $0x80, s14, s7, $0xb8;
	[tilespmem:$0x5000] =	vst v63  }
0x24: {  	s12 =	sadd.s32 $0x1, s12;
	_ =	swait.ge [sflag:s11], $0x4000  }
0x25: {  	p0 =	sne.s32 s12, s5;
	[sflag:s11] =	ssyncset.done $0x0  }
.Ltmp1:
0x26: {  	[sflag:s11] =	ssyncadd.s32 $0xFFFFC000;
	(pc) =	sbr.rel @p0 .LBB2_1-.Ltmp1, $4  }
0x27: {  	[hbm4b:s13+s2] =	stream.linear.scatter [tilespmem:s10], [sflag:$0x2], $0x4000, $0x38;
	[tilespmem:$0x5000] =	vst v63  }
0x28: {  	_ =	swait.ge [sflag:s9], $0x4000  }
0x29: {  	[sflag:s9] =	ssyncset.done $0x0  }
0x2a: {  	[sflag:s9] =	ssyncadd.s32 $0xFFFFC000  }
0x2b: {  	_ =	sfence.sel $0x180000  }
0x2c: {  	[bflag:$0x0] =	sbarrier.arrive $0xFFFF  }
0x2d: {  	p0 =	sne.s32 s1, $0x0;
	_ =	strace $0x9000004A  }
0x2e: {  	s0 =	sadd.s32 @!p0 $0x100000, s0;
	[bflag:$0x2] =	sbarrier.arrive $0xFFFF  }
0x2f: {  	[sflag:s0] =	ssyncadd.tile.s32 @!p0 $0x1;
	_ =	shalt  }
.Lfunc_end2:
_tile_overlayer_lowered:
.L_overlay_start_2:
0x30: {  	(tag) =	ssettag $0x2  }
0x31: {  	s0 =	rddreg [dreg:$0x0];
	s2 =	stileid.u32  }
0x32: {  	s1 =	rddreg [dreg:$0x1];
	p0 =	sne.s32 s2, $0x0  }
0x33: {  	s3 =	rddreg [dreg:$0x2];
	[bflag:$0x3] =	sbarrier.arrive $0xFFFF;
	s2 =	simm.s32 @!p0 $0x1C02  }
0x34: {  	[timem:s3], [sflag:s2] =	dma.local @!p0 [hbm:s0], s1  }
0x35: {  	s0 =	simm.s32 @!p0 $0x2  }
0x36: {  	_ =	swait.ge @!p0 [sflag:s0], s1  }
0x37: {  	s1 =	ssub.s32 @!p0 $0x0, s1;
	[sflag:s0] =	ssyncset.done @!p0 $0x0  }
0x38: {  	[sflag:s0] =	ssyncadd.s32 @!p0 s1  }
0x39: {  	[bflag:$0x3] =	sbarrier.arrive $0xFFFF  }
0x3a: {  	_ =	shalt  }

// kernel: sparse-core-data-format-call.cloned.1.call-start
scs
called_computation_lowered:
.L_overlay_start_0:
0x0: {  	s2 =	sld [smem:$0x3FD9]  }
0x1: {  	s3 =	sld [smem:$0x3FFE];
	_ =	sdelay $0x1  }
0x2: {  	s1 =	srdreg.scid  }
0x3: {  	s0 =	sand.u32 $0x1, s1  }
0x4: {  	s18 =	sshll.u32 s0, $0xA;
	s2 =	sadd.s32 s3, s2  }
0x5: {  	s2 =	sadd.s32 s2, s18  }
0x6: {  	[smem:$0x3FBD] =	sst s2  }
0x7: {  	_ = 	snop  }
0x8: {  	s2 =	sld [smem:$0x3FD0];
	(tm) =	ssettm $0x1  }
0x9: {  	s19 =	sld [smem:$0x3FFB];
	_ =	sdelay $0x3  }
0xa: {  	_ =	strace s19  }
0xb: {  	s3 =	sld [smem:$0x3FFC];
	_ =	sdelay $0x3  }
0xc: {  	_ =	strace s3  }
0xd: {  	s3 =	sld [smem:$0x3FFD];
	_ =	sdelay $0x3  }
0xe: {  	_ =	strace s3  }
0xf: {  	_ =	strace $0x8FFFFFFF  }
0x10: {  	s20 =	sld [smem:$0x3FDB];
	_ =	sdelay $0x1  }
0x11: {  	s4 =	simm.s32 $_scs_section_size  }
0x12: {  	s5 =	simm.s32 $_size__tile_overlayer_lowered;
	s6 =	simm.s32 $_tile_overlayer_lowered  }
0x13: {  	s23 =	simm.s32 $0x1BFF;
	s22 =	sshll.u32 s6, $0x1;
	s3 =	sadd.s32 s4, s20  }
0x14: {  	s7 =	simm.s32 $0x0;
	s21 =	sshll.u32 s5, $0x1;
	s5 =	sadd.s32 s22, s3  }
0x15: {  	[timem:s7], [sflag:s23] =	dma.local [hbm:s5], s21  }
0x16: {  	_ =	swait.ge [sflag:s23], s21  }
0x17: {  	s4 =	ssub.s32 $0x0, s21;
	[sflag:s23] =	ssyncset.done $0x0  }
0x18: {  	[sflag:s23] =	ssyncadd.s32 s4;
	_ =	sdelay $0x1  }
0x19: {  	s24 =	simm.s32 $0x1B8B  }
0x1a: {  	_ =	swait.ge [sflag:s24], $0x1  }
0x1b: {  	[sflag:s24] =	ssyncset.done $0x0  }
0x1c: {  	s26 =	simm.s32 $0x1B8E;
	s25 =	sld [smem:$0x3FFE];
	[sflag:s24] =	ssyncadd.s32 $0xFFFFFFFF  }
0x1d: {  	s27 =	simm.s32 $execute0_lowered;
	[smem:$0x3FD2] =	sst s26  }
0x1e: {  	s5 =	sshll.u32 s27, $0x1;
	_ =	strace $0x8000004C;
	[dreg:$0x1] =	wrdreg $0xFFFFFFFF  }
0x1f: {  	s28 =	simm.s32 $_size_execute0_lowered;
	s3 =	sadd.s32 s3, s5;
	[dreg:$0x0] =	wrdreg $0x0  }
0x20: {  	s5 =	sshll.u32 s28, $0x1;
	[dreg:$0x2] =	wrdreg s3  }
0x21: {  	[dreg:$0x3] =	wrdreg s5  }
0x22: {  	[dreg:$0x4] =	wrdreg $0xC0  }
0x23: {  	_ =	task [dreg:s7], $0x5FFFF  }
0x24: {  	[dreg:$0x1] =	wrdreg $0xFFFFFFFF  }
0x25: {  	[dreg:$0x0] =	wrdreg $0x60  }
0x26: {  	[dreg:$0x2] =	wrdreg s25  }
0x27: {  	[dreg:$0x3] =	wrdreg s2  }
0x28: {  	[dreg:$0x4] =	wrdreg $0x9  }
0x29: {  	_ =	task.clear_ibuf [dreg:s7], $0x5FFFF;
	_ =	strace $0x9000004C  }
0x2a: {  	s29 =	simm.s32 $0x9;
	_ =	strace $0x8000004E  }
0x2b: {  	_ =	swait.ge [sflag:s29], $0x1  }
0x2c: {  	[sflag:s29] =	ssyncadd.s32 $0xFFFFFFFF  }
0x2d: {  	_ =	strace $0x9000004E  }
0x2e: {  	_ =	sfence  }
0x2f: {  	s30 =	sld [smem:$0x0];
	_ =	sdelay $0x2  }
0x30: {  	s31 =	sshll.u32 s1, $0xD;
	s1 =	sshrl.u32 s1, $0x2  }
0x31: {  	s3 =	sand.u32 $0x4000, s31;
	s1 =	sadd.s32 s1, s30  }
0x32: {  	s0 =	sor.u32 s3, s0;
	s1 =	sshll.u32 s1, $0x11  }
0x33: {  	s0 =	sor.u32 s1, s0  }
0x34: {  	s0 =	sadd.s32 $0x8F2B, s0  }
0x35: {  	[sflag:s0] =	ssyncadd.remote.s32 $0x1  }
0x36: {  	_ =	sfence.sel $0xFFFF  }
0x37: {  	[dreg:$0x0] =	wrdreg $0xFFFFFFFF;
	(pc) =	sbr.abs _section_cstart, $3  }
0x38: {  	[dreg:$0x1] =	wrdreg $0xFFFFFFFF  }
0x39: {  	_ =	task.clear_ibuf [dreg:s7], $0x2FFFF;
	_ =	strace $0x9FFFFFFF  }
0x3a: {  	(tm) =	ssettm $0x7FFFFFFF  }
0x3b: {  	_ =	shalt  }
tec
execute0_lowered:
.L_overlay_start_1:
0x0: {  	(tag) =	ssettag $0x1  }
0x1: {  	s8 =	rddreg [dreg:$0x0]  }
0x2: {  	s2 =	rddreg [dreg:$0x1]  }
0x3: {  	s1 =	stileid.u32;
	s4 =	srdreg.scid  }
0x4: {  	s0 =	rddreg [dreg:$0x2];
	_ =	strace $0x8000004D;
	s9 =	simm.s32 $0x1  }
0x5: {  	s31 =	simm.s32 $0x2;
	s14 =	simm.s32 $0x0;
	s15 =	simm.s32 $0x0  }
0x6: {  	s13 =	simm.s32 $0x0;
	s3 =	sshll.u32 s1, $0x1;
	s4 =	sshll.u32 s4, $0x7  }
0x7: {  	s4 =	sand.u32 $0x80, s4;
	s5 =	ssub.s32 $0x20, s3;
	s12 =	smov.u32 s3  }
0x8: {  	s6 =	sshrl.u32 s5, $0x5;
	s5 =	sand.u32 $0x1E, s5;
	s7 =	ssub.s32 $0x1000, s4  }
0x9: {  	p0 =	sne.s32 s5, $0x0;
	s30 =	sshrl.u32 s7, $0x7;
	s7 =	sshrl.u32 s7, $0x8  }
.Ltmp0:
0xa: {  	s9 =	simm.s32 @!p0 $0x0;
	s10 =	sand.u32 $0x1, s30;
	(pc) =	sbr.rel .LBB1_1-.Ltmp0, $4  }
0xb: {  	s5 =	simm.s32 $0x1;
	s6 =	sadd.s32 s9, s6;
	s7 =	sadd.s32 s7, s10  }
0xc: {  	s11 =	smov.u32 s4;
	[sflag:s5] =	ssyncpa.u1 $0x0;
	s6 =	smul.u32 s6, s7  }
0xd: {  	p0 =	por $0x0, $0x0;
	[sflag:s31] =	ssyncpa.u1 $0x0;
	s10 =	simm.s32 $0x8000  }
0xe: {  	s7 =	sadd.s32 $0x2800, s8;
	s8 =	sadd.s32 $0x12800, s8;
	s9 =	sadd.s32 $0x1, s6  }
.LBB1_7:
0xf: {  	s16 =	sadd.s32 $0x100, s11  }
0x10: {  	s14 =	sadd.s32 $0x20, s12;
	s18 =	smov.u32 s12;
	p2 =	sgt.s32 s16, $0xFFF  }
0x11: {  	s18 =	smov.u32 @p2 s14  }
0x12: {  	s16 =	smov.u32 @p2 s4;
	p2 =	sgt.s32 s18, $0x1F  }
0x13: {  	s18 =	smov.u32 @p2 s3;
	p2 =	sne.s32 s13, s9  }
.Ltmp1:
0x14: {  	p1 =	slt.u32 s13, $0x2;
	(pc) =	sbr.rel @!p2 .LBB1_8-.Ltmp1, $4  }
0x15: {  	s17 =	simm.s32 @!p1 $0x2  }
0x16: {  	s15 =	smov.u32 s12;
	p0 =	por !p0, !p0;
	_ =	swait.ge @!p1 [sflag:s17], $0x4000  }
0x17: {  	s14 =	smov.u32 s11;
	[sflag:s17] =	ssyncset.done @!p1 $0x0;
	s11 =	smov.u32 s16  }
0x18: {  	s13 =	sadd.s32 $0x1, s13;
	[sflag:s17] =	ssyncadd.s32 @!p1 $0xFFFFC000;
	s12 =	smov.u32 s18  }
.LBB1_1:
0x19: {  	p1 =	sge.u32 s13, s6  }
0x1a: {  	s16 =	sxor.u32 @!p1 $0xFFFFFFFF, s13;
	s17 =	sshll.u32 @!p1 s12, $0x10  }
0x1b: {  	s18 =	sshll.u32 @!p1 s11, $0x4;
	s20 =	simm.s32 @!p1 $0x40;
	s21 =	simm.s32 @!p1 $0x80  }
0x1c: {  	s16 =	sshll.u32 @!p1 s16, $0xE;
	s18 =	sand.u32 @!p1 $0xFFF0, s18;
	s19 =	sadd.s32 @!p1 s7, s17  }
0x1d: {  	s17 =	sadd.s32 @!p1 s17, s8;
	s16 =	sand.u32 @!p1 $0x4000, s16;
	s19 =	sadd.s32 @!p1 s18, s19  }
0x1e: {  	[tilespmem:s16], [sflag:$0x1] =	stream.strided.gather @!p1 [hbm4b:s19+s20], $0x2000, s21, s20, $0x38;
	[tilespmem:$0x10100] =	vst v63  }
0x1f: {  	s31 =	sadd.s32 $0xFFFFFFFF, s13;
	s17 =	sadd.s32 @!p1 s18, s17;
	s16 =	sor.u32 @!p1 $0x2000, s16  }
0x20: {  	[tilespmem:s16], [sflag:$0x1] =	stream.strided.gather @!p1 [hbm4b:s17+s20], $0x2000, s21, s20, $0x38;
	[tilespmem:$0x10100] =	vst v63  }
0x21: {  	p1 =	sge.u32 s31, s6  }
.Ltmp2:
0x22: {  	_ = 	snop;
	(pc) =	sbr.rel @p1 .LBB1_7-.Ltmp2, $1  }
0x23: {  	_ =	sdelay $0x3  }
0x24: {  	s16 =	simm.s32 $0x1;
	s18 =	sand.u32 $0x1, s13  }
0x25: {  	_ =	swait.ge [sflag:s5], $0x4000;
	s16 =	simm.s32 @!p0 $0x0;
	s18 =	smul.u32 $0x10200, s18  }
0x26: {  	p2 =	por $0x1, $0x1;
	[sflag:s5] =	ssyncset.done $0x0;
	s17 =	smul.u32 $0x10200, s16  }
0x27: {  	s19 =	sshll.u32 s16, $0x10;
	[sflag:s5] =	ssyncadd.s32 $0xFFFFC000;
	s30 =	sshrl.u32 s18, $0x2  }
0x28: {  	s31 =	sshrl.u32 s19, $0x2;
	s19 =	simm.s32 $0x0;
	s17 =	sshrl.u32 s17, $0x2  }
0x29: {  	s16 =	sor.u32 $0x8000, s30;
	s18 =	sadd.s32 $0x20, s31;
	s17 =	sor.u32 $0x8000, s17  }
.LBB1_3:
0x2a: {  	s20 =	sshll.u32 s19, $0xD  }
0x2b: {  	s20 =	sand.u32 $0x3FFFE000, s20  }
0x2c: {  	s22 =	sadd.s32 s20, s18  }
0x2d: {  	s31 =	smul.u32 $0x8100, s19;
	v3 =	vld [tilespmem:s22+$0x10]  }
0x2e: {  	v1 =	vld [tilespmem:s22+$0xFFFFFFF0]  }
0x2f: {  	s19 =	sshra.s32 s31, $0x2;
	v0 =	vld [tilespmem:s22+$0x0]  }
0x30: {  	s19 =	sadd.s32 s19, s17;
	v2 =	vld [tilespmem:s22+$0xFFFFFFE0]  }
0x31: {  	s20 =	sadd.s32 $0x0, s19  }
0x32: {  	p1 =	por p2, p2;
	s21 =	simm.s32 $0x4;
	s22 =	sadd.s32 $0x40, s22;
	[tilespmem:s20+$0x1830 ss:$0x81] =	vst.msk $0xffff, v3  }
.LBB1_4:
0x33: {  	v3 =	vld [tilespmem:s22+$0x10];
	p2 =	sne.s32 s21, $0x1FC;
	[tilespmem:s20+$0x810 ss:$0x81] =	vst.msk $0xffff, v1;
	s23 =	smov.u32 s21;
	s21 =	sadd.s32 $0x4, s21  }
.Ltmp3:
0x34: {  	v1 =	vld [tilespmem:s22+$0xFFFFFFF0];
	[tilespmem:s20+$0x1020 ss:$0x81] =	vst.msk $0xffff, v0;
	(pc) =	sbr.rel @p2 .LBB1_4-.Ltmp3, $4  }
0x35: {  	v0 =	vld [tilespmem:s22+$0x0];
	[tilespmem:s20+$0x0 ss:$0x81] =	vst.msk $0xffff, v2  }
0x36: {  	s20 =	sshra.s32 s23, $0x2;
	v2 =	vld [tilespmem:s22+$0xFFFFFFE0]  }
0x37: {  	s20 =	sadd.s32 s20, s19  }
0x38: {  	s22 =	sadd.s32 $0x40, s22;
	[tilespmem:s20+$0x1830 ss:$0x81] =	vst.msk $0xffff, v3  }
.Ltmp4:
0x39: {  	(pc) =	sbr.rel @p1 .LBB1_3-.Ltmp4, $4  }
0x3a: {  	_ = 	snop  }
0x3b: {  	[tilespmem:s20+$0x810 ss:$0x81] =	vst.msk $0xffff, v1  }
0x3c: {  	[tilespmem:s20+$0x1020 ss:$0x81] =	vst.msk $0xffff, v0  }
0x3d: {  	s19 =	simm.s32 $0x1;
	p2 =	por $0x0, $0x0;
	[tilespmem:s20+$0x0 ss:$0x81] =	vst.msk $0xffff, v2  }
0x3e: {  	s17 =	sshll.u32 s14, $0x3;
	s18 =	sand.u32 $0x78, s14;
	s15 =	sshll.u32 s15, $0xF  }
.Ltmp5:
0x3f: {  	s30 =	sand.u32 $0x7E00, s14;
	s17 =	sand.u32 $0xC00, s17;
	(pc) =	sbr.rel .LBB1_7-.Ltmp5, $4  }
0x40: {  	s31 =	sand.u32 $0x7, s14;
	s15 =	sadd.s32 s2, s15;
	s17 =	sor.u32 s18, s17  }
0x41: {  	s14 =	sshll.u32 s31, $0x12;
	s15 =	sadd.s32 s30, s15;
	s17 =	sshrl.u32 s17, $0x3  }
0x42: {  	s14 =	sor.u32 $0x400, s14;
	s15 =	sadd.s32 s17, s15  }
0x43: {  	[hbm4b:s15+s14] =	stream.strided.scatter [tilespmem:s16], [sflag:$0x2], $0x4000, s10, s14, $0x20;
	[tilespmem:$0x10100] =	vst v63  }
.LBB1_8:
0x44: {  	_ =	sfence.sel $0x180000  }
0x45: {  	s2 =	simm.s32 $0x1;
	[bflag:$0x0] =	sbarrier.arrive $0xFFFF  }
0x46: {  	s31 =	simm.s32 $0x2;
	[sflag:s2] =	ssyncpa.u1 $0x1  }
0x47: {  	[sflag:s31] =	ssyncpa.u1 $0x1  }
0x48: {  	p0 =	sne.s32 s1, $0x0;
	_ =	strace $0x9000004D  }
0x49: {  	s0 =	sadd.s32 @!p0 $0x100000, s0;
	[bflag:$0x2] =	sbarrier.arrive $0xFFFF  }
0x4a: {  	[sflag:s0] =	ssyncadd.tile.s32 @!p0 $0x1;
	_ =	shalt  }
.Lfunc_end1:
_tile_overlayer_lowered:
.L_overlay_start_2:
0x4b: {  	(tag) =	ssettag $0x2  }
0x4c: {  	s0 =	rddreg [dreg:$0x0];
	s2 =	stileid.u32  }
0x4d: {  	s1 =	rddreg [dreg:$0x1];
	p0 =	sne.s32 s2, $0x0  }
0x4e: {  	s3 =	rddreg [dreg:$0x2];
	[bflag:$0x3] =	sbarrier.arrive $0xFFFF;
	s2 =	simm.s32 @!p0 $0x1C01  }
0x4f: {  	[timem:s3], [sflag:s2] =	dma.local @!p0 [hbm:s0], s1  }
0x50: {  	s0 =	simm.s32 @!p0 $0x1  }
0x51: {  	_ =	swait.ge @!p0 [sflag:s0], s1  }
0x52: {  	s1 =	ssub.s32 @!p0 $0x0, s1;
	[sflag:s0] =	ssyncset.done @!p0 $0x0  }
0x53: {  	[sflag:s0] =	ssyncadd.s32 @!p0 s1  }
0x54: {  	[bflag:$0x3] =	sbarrier.arrive $0xFFFF  }
0x55: {  	_ =	shalt  }

</sc_bundles>
